<compile_context>
chip_gen: v7x
topology: tpu7x:2x2x1
jax: 0.10.2.dev20260603
libtpu: 0.0.44.dev20260713+nightly
codegen_flags: <defaults>
</compile_context>

<pallas_src>
import functools

import jax
import jax.numpy as jnp
from jax import lax
from jax.experimental import pallas as pl
from jax.experimental.pallas import tpu as pltpu
from jax.experimental.pallas import tpu_sc as plsc

_D = 128
_NW = 32
_BW = 128
_HW = 64
_K = 5


def _gather_body(n_steps, table_hbm, idxt_hbm, out_hbm, idx_v, rows_v,
                 sem_in, sem_o0, sem_o1):
    wid = lax.axis_index("s") * 2 + lax.axis_index("c")
    b0 = wid * _BW
    pltpu.sync_copy(idxt_hbm.at[:, pl.ds(b0, _BW)], idx_v)

    sem_out = [sem_o0, sem_o1]
    n_groups = n_steps // _K

    def _addrs(s):
        return s // 2, (s % 2) * _HW

    def fire_gathers(g, bank):
        for k in range(_K):
            t, h = _addrs(g * _K + k)
            pltpu.async_copy(
                table_hbm.at[idx_v.at[t, pl.ds(h, _HW)]],
                rows_v.at[bank, k], sem_in,
            )

    def drain_gathers(bank):
        for k in range(_K):
            pltpu.make_async_copy(
                table_hbm.at[idx_v.at[0, pl.ds(0, _HW)]],
                rows_v.at[bank, k], sem_in,
            ).wait()

    def fire_outs(g, bank):
        for k in range(_K):
            t, h = _addrs(g * _K + k)
            pltpu.async_copy(
                rows_v.at[bank, k],
                out_hbm.at[t, pl.ds(b0 + h, _HW), :], sem_out[bank],
            )

    def drain_outs(bank):
        for k in range(_K):
            pltpu.make_async_copy(
                rows_v.at[bank, k], out_hbm.at[0, pl.ds(b0, _HW), :],
                sem_out[bank],
            ).wait()

    fire_gathers(0, 0)

    def iter2(i, carry):
        for sub in range(2):
            g = 2 * i + sub
            drain_gathers(sub)
            fire_outs(g, sub)

            @pl.when(g >= 1)
            def _():
                drain_outs(1 - sub)

            @pl.when(g + 1 < n_groups)
            def _():
                fire_gathers(g + 1, 1 - sub)
        return carry

    lax.fori_loop(0, n_groups // 2, iter2, 0)
    drain_outs(1)


@functools.partial(jax.jit, static_argnames=("b", "t"))
def _gather(idx_t, pattern, b, t):
    run = pl.kernel(
        functools.partial(_gather_body, 2 * t),
        out_type=jax.ShapeDtypeStruct((t, b, _D), jnp.float32),
        mesh=plsc.VectorSubcoreMesh(core_axis_name="c", subcore_axis_name="s"),
        scratch_types=[
            pltpu.VMEM((t, _BW), jnp.int32),
            pltpu.VMEM((2, _K, _HW, _D), jnp.float32),
            pltpu.SemaphoreType.DMA,
            pltpu.SemaphoreType.DMA,
            pltpu.SemaphoreType.DMA,
        ],
        compiler_params=pltpu.CompilerParams(use_tc_tiling_on_sc=True),
    )
    return run(pattern, idx_t)


def kernel(input, pattern):
    b, t = input.shape
    idx_t = jnp.swapaxes(input.astype(jnp.int32), 0, 1)
    out_t = _gather(idx_t, pattern, b, t)
    return jnp.swapaxes(out_t, 0, 1)

# --- scband reference (transcript-rebuilt; emitter-appended) ---
"""Pipeline reference for scband-cyclic-positional-encoding-61478161875542 (READ-ONLY COPY).

The authoritative reference and input builder live on the scoring server;
editing this copy changes nothing except your own understanding.
"""

import jax, jax.numpy as jnp
import numpy as np


def _build_pattern(num_embeddings, embedding_dim, mean_pooling=True):
    skip_base = np.power(num_embeddings, 1 / (embedding_dim // 2))
    skip_set = np.linspace(skip_base, num_embeddings, embedding_dim // 2, dtype='int')
    x = np.zeros((num_embeddings, embedding_dim))

    def basesin(x_, omiga, fai=0):
        T = 2 * np.pi / omiga
        return np.sin(omiga * np.abs(np.mod(x_, 2 * T) - T) + fai)

    def basecos(x_, omiga, fai=0):
        T = 2 * np.pi / omiga
        return np.cos(omiga * np.abs(np.mod(x_, 2 * T) - T) + fai)

    for i in range(embedding_dim):
        skip = skip_set[i // 3 * 3 + 1] if i // 3 * 3 + 1 < embedding_dim // 2 else skip_set[-1]
        if num_embeddings > skip:
            longer_pattern = np.arange(0, np.ceil(num_embeddings / skip) * skip + 0.01, 0.01)
        else:
            longer_pattern = np.arange(0, num_embeddings + 0.01, 0.01)
            skip = num_embeddings
        num = len(longer_pattern) - 1
        omiga = 2 * np.pi / skip
        fai = 0 if i <= embedding_dim // 2 else 2 * np.pi * ((-i + embedding_dim // 2) / (embedding_dim // 2))
        sel = np.linspace(0, num, num_embeddings + 1, dtype='int')
        if i % 2 == 1:
            x[:, i] = basecos(longer_pattern, omiga, fai)[sel][:num_embeddings]
        else:
            x[:, i] = basesin(longer_pattern, omiga, fai)[sel][:num_embeddings]

    pattern = x.astype(np.float32)
    pattern_sum = np.zeros_like(pattern)
    ar = np.arange(num_embeddings)
    pooling = [0] if not mean_pooling else [-2, -1, 0, 1, 2]
    time = 0
    for i in pooling:
        time += 1
        index = (ar + i + num_embeddings) % num_embeddings
        pattern_sum += pattern[index]
    pattern = 1.0 / time * pattern_sum - pattern.mean(0)
    return jnp.asarray(pattern, dtype=jnp.float32)


def setup_inputs(seed: int = 0) -> dict:
    key = jax.random.key(seed)
    indices = jax.random.randint(key, (4096, 50), 0, 10000)
    pattern = _build_pattern(10000, 128, mean_pooling=True)
    return {"input": indices, "pattern": pattern}


def reference(input, pattern):
    # CyclicPositionalEncoding.forward: self.pattern[input]
    return jnp.take(pattern, input, axis=0)

if __name__ == "__main__":
    import jax
    _d = setup_inputs()
    print(jax.jit(kernel)(*tuple(_d.values())))

</pallas_src>

<mosaic_0001>
#map = affine_map<(d0, d1) -> (0, 0)>
#map1 = affine_map<(d0, d1) -> (0, 0, 0)>
module attributes {stable_mosaic.version = 14 : i64} {
  func.func @_gather_body(%arg0: i32, %arg1: i32, %arg2: memref<10000x128xf32, #tpu.memory_space<hbm>>, %arg3: memref<50x4096xi32, #tpu.memory_space<hbm>>, %arg4: memref<50x4096x128xf32, #tpu.memory_space<hbm>>, %arg5: memref<50x128xi32, #tpu.memory_space<vmem>>, %arg6: memref<2x5x64x128xf32, #tpu.memory_space<vmem>>, %arg7: memref<!tpu.dma_semaphore, #tpu.memory_space<semaphore_mem>>, %arg8: memref<!tpu.dma_semaphore, #tpu.memory_space<semaphore_mem>>, %arg9: memref<!tpu.dma_semaphore, #tpu.memory_space<semaphore_mem>>) attributes {dimension_semantics = [#tpu.dimension_semantics<core_parallel>, #tpu.dimension_semantics<subcore_parallel>], iteration_bounds = array<i64: 2, 16>, scalar_prefetch = 0 : i64, scratch_operands = 5 : i64, tpu.core_type = #tpu.core_type<sc_vector_subcore>, window_params = [{transform_indices = #map}, {transform_indices = #map}, {transform_indices = #map1}]} {
    %mul3A = arith.constant 2 : i32
    %mul3A_0 = arith.muli %arg1, %mul3A : i32
    %add3A = arith.addi %mul3A_0, %arg0 : i32
    %mul3A_1 = arith.constant 128 : i32
    %mul3A_2 = arith.muli %add3A, %mul3A_1 : i32
    "tpu.region"() ({
      %run_scoped3A = tpu.sem_alloc : memref<!tpu.dma_semaphore, #tpu.memory_space<semaphore_mem>>
      %dma_start3A_156 = arith.constant 0 : i32
      %dma_start3A_157 = tpu.memref_slice %arg3[%dma_start3A_156, %mul3A_2] : memref<50x4096xi32, #tpu.memory_space<hbm>> -> memref<50x128xi32, #tpu.memory_space<hbm>>
      %dma_start3A_158 = arith.constant 0 : i32
      %dma_start3A_159 = tpu.memref_slice %arg3[%dma_start3A_158, %mul3A_2] : memref<50x4096xi32, #tpu.memory_space<hbm>> -> memref<50x128xi32, #tpu.memory_space<hbm>>
      tpu.enqueue_dma source(%dma_start3A_159 : memref<50x128xi32, #tpu.memory_space<hbm>>) target(%arg5 : memref<50x128xi32, #tpu.memory_space<vmem>>) target_semaphore(%run_scoped3A : memref<!tpu.dma_semaphore, #tpu.memory_space<semaphore_mem>>)
      %dma_wait3A_160 = arith.constant 0 : i32
      %dma_wait3A_161 = tpu.memref_slice %arg3[%dma_wait3A_160, %mul3A_2] : memref<50x4096xi32, #tpu.memory_space<hbm>> -> memref<50x128xi32, #tpu.memory_space<hbm>>
      %dma_wait3A_162 = arith.constant 0 : i32
      %dma_wait3A_163 = tpu.memref_slice %arg3[%dma_wait3A_162, %mul3A_2] : memref<50x4096xi32, #tpu.memory_space<hbm>> -> memref<50x128xi32, #tpu.memory_space<hbm>>
      tpu.wait_dma2 semaphore(%run_scoped3A : memref<!tpu.dma_semaphore, #tpu.memory_space<semaphore_mem>>) src(%dma_wait3A_163 : memref<50x128xi32, #tpu.memory_space<hbm>>) dst(%arg5 : memref<50x128xi32, #tpu.memory_space<vmem>>)
      tpu.yield
    }) : () -> ()
    %dma_start3A = arith.constant 0 : i32
    %dma_start3A_3 = arith.constant 0 : i32
    %dma_start3A_4 = arith.constant 0 : i32
    %dma_start3A_5 = arith.constant 0 : i32
    %dma_start3A_6 = arith.constant 0 : i32
    %dma_start3A_7 = tpu.memref_slice %arg6[%dma_start3A_3, %dma_start3A_4, %dma_start3A_5, %dma_start3A_6] : memref<2x5x64x128xf32, #tpu.memory_space<vmem>> -> memref<1x1x64x128xf32, #tpu.memory_space<vmem>>
    %dma_start3A_8 = tpu.memref_squeeze %dma_start3A_7 : memref<1x1x64x128xf32, #tpu.memory_space<vmem>> -> memref<64x128xf32, #tpu.memory_space<vmem>>
    %dma_start3A_9 = arith.constant 0 : i32
    %dma_start3A_10 = tpu.memref_slice %arg5[%dma_start3A, %dma_start3A_9] : memref<50x128xi32, #tpu.memory_space<vmem>> -> memref<1x64xi32, #tpu.memory_space<vmem>>
    %dma_start3A_11 = tpu.memref_squeeze %dma_start3A_10 : memref<1x64xi32, #tpu.memory_space<vmem>> -> memref<64xi32, #tpu.memory_space<vmem>>
    %dma_start3A_12 = arith.constant 0 : i32
    %dma_start3A_13 = arith.constant 0 : i32
    %dma_start3A_14 = tpu.memref_slice %arg2[%dma_start3A_12, %dma_start3A_13] : memref<10000x128xf32, #tpu.memory_space<hbm>> -> memref<10000x128xf32, #tpu.memory_space<hbm>>
    tpu.enqueue_indirect_dma source(%dma_start3A_14 : memref<10000x128xf32, #tpu.memory_space<hbm>>) target(%dma_start3A_8 : memref<64x128xf32, #tpu.memory_space<vmem>>) offsets(%dma_start3A_11 : memref<64xi32, #tpu.memory_space<vmem>>) semaphore(%arg7 : memref<!tpu.dma_semaphore, #tpu.memory_space<semaphore_mem>>)
    %dma_start3A_15 = arith.constant 0 : i32
    %dma_start3A_16 = arith.constant 0 : i32
    %dma_start3A_17 = arith.constant 1 : i32
    %dma_start3A_18 = arith.constant 0 : i32
    %dma_start3A_19 = arith.constant 0 : i32
    %dma_start3A_20 = tpu.memref_slice %arg6[%dma_start3A_16, %dma_start3A_17, %dma_start3A_18, %dma_start3A_19] : memref<2x5x64x128xf32, #tpu.memory_space<vmem>> -> memref<1x1x64x128xf32, #tpu.memory_space<vmem>>
    %dma_start3A_21 = tpu.memref_squeeze %dma_start3A_20 : memref<1x1x64x128xf32, #tpu.memory_space<vmem>> -> memref<64x128xf32, #tpu.memory_space<vmem>>
    %dma_start3A_22 = arith.constant 64 : i32
    %dma_start3A_23 = tpu.memref_slice %arg5[%dma_start3A_15, %dma_start3A_22] : memref<50x128xi32, #tpu.memory_space<vmem>> -> memref<1x64xi32, #tpu.memory_space<vmem>>
    %dma_start3A_24 = tpu.memref_squeeze %dma_start3A_23 : memref<1x64xi32, #tpu.memory_space<vmem>> -> memref<64xi32, #tpu.memory_space<vmem>>
    %dma_start3A_25 = arith.constant 0 : i32
    %dma_start3A_26 = arith.constant 0 : i32
    %dma_start3A_27 = tpu.memref_slice %arg2[%dma_start3A_25, %dma_start3A_26] : memref<10000x128xf32, #tpu.memory_space<hbm>> -> memref<10000x128xf32, #tpu.memory_space<hbm>>
    tpu.enqueue_indirect_dma source(%dma_start3A_27 : memref<10000x128xf32, #tpu.memory_space<hbm>>) target(%dma_start3A_21 : memref<64x128xf32, #tpu.memory_space<vmem>>) offsets(%dma_start3A_24 : memref<64xi32, #tpu.memory_space<vmem>>) semaphore(%arg7 : memref<!tpu.dma_semaphore, #tpu.memory_space<semaphore_mem>>)
    %dma_start3A_28 = arith.constant 1 : i32
    %dma_start3A_29 = arith.constant 0 : i32
    %dma_start3A_30 = arith.constant 2 : i32
    %dma_start3A_31 = arith.constant 0 : i32
    %dma_start3A_32 = arith.constant 0 : i32
    %dma_start3A_33 = tpu.memref_slice %arg6[%dma_start3A_29, %dma_start3A_30, %dma_start3A_31, %dma_start3A_32] : memref<2x5x64x128xf32, #tpu.memory_space<vmem>> -> memref<1x1x64x128xf32, #tpu.memory_space<vmem>>
    %dma_start3A_34 = tpu.memref_squeeze %dma_start3A_33 : memref<1x1x64x128xf32, #tpu.memory_space<vmem>> -> memref<64x128xf32, #tpu.memory_space<vmem>>
    %dma_start3A_35 = arith.constant 0 : i32
    %dma_start3A_36 = tpu.memref_slice %arg5[%dma_start3A_28, %dma_start3A_35] : memref<50x128xi32, #tpu.memory_space<vmem>> -> memref<1x64xi32, #tpu.memory_space<vmem>>
    %dma_start3A_37 = tpu.memref_squeeze %dma_start3A_36 : memref<1x64xi32, #tpu.memory_space<vmem>> -> memref<64xi32, #tpu.memory_space<vmem>>
    %dma_start3A_38 = arith.constant 0 : i32
    %dma_start3A_39 = arith.constant 0 : i32
    %dma_start3A_40 = tpu.memref_slice %arg2[%dma_start3A_38, %dma_start3A_39] : memref<10000x128xf32, #tpu.memory_space<hbm>> -> memref<10000x128xf32, #tpu.memory_space<hbm>>
    tpu.enqueue_indirect_dma source(%dma_start3A_40 : memref<10000x128xf32, #tpu.memory_space<hbm>>) target(%dma_start3A_34 : memref<64x128xf32, #tpu.memory_space<vmem>>) offsets(%dma_start3A_37 : memref<64xi32, #tpu.memory_space<vmem>>) semaphore(%arg7 : memref<!tpu.dma_semaphore, #tpu.memory_space<semaphore_mem>>)
    %dma_start3A_41 = arith.constant 1 : i32
    %dma_start3A_42 = arith.constant 0 : i32
    %dma_start3A_43 = arith.constant 3 : i32
    %dma_start3A_44 = arith.constant 0 : i32
    %dma_start3A_45 = arith.constant 0 : i32
    %dma_start3A_46 = tpu.memref_slice %arg6[%dma_start3A_42, %dma_start3A_43, %dma_start3A_44, %dma_start3A_45] : memref<2x5x64x128xf32, #tpu.memory_space<vmem>> -> memref<1x1x64x128xf32, #tpu.memory_space<vmem>>
    %dma_start3A_47 = tpu.memref_squeeze %dma_start3A_46 : memref<1x1x64x128xf32, #tpu.memory_space<vmem>> -> memref<64x128xf32, #tpu.memory_space<vmem>>
    %dma_start3A_48 = arith.constant 64 : i32
    %dma_start3A_49 = tpu.memref_slice %arg5[%dma_start3A_41, %dma_start3A_48] : memref<50x128xi32, #tpu.memory_space<vmem>> -> memref<1x64xi32, #tpu.memory_space<vmem>>
    %dma_start3A_50 = tpu.memref_squeeze %dma_start3A_49 : memref<1x64xi32, #tpu.memory_space<vmem>> -> memref<64xi32, #tpu.memory_space<vmem>>
    %dma_start3A_51 = arith.constant 0 : i32
    %dma_start3A_52 = arith.constant 0 : i32
    %dma_start3A_53 = tpu.memref_slice %arg2[%dma_start3A_51, %dma_start3A_52] : memref<10000x128xf32, #tpu.memory_space<hbm>> -> memref<10000x128xf32, #tpu.memory_space<hbm>>
    tpu.enqueue_indirect_dma source(%dma_start3A_53 : memref<10000x128xf32, #tpu.memory_space<hbm>>) target(%dma_start3A_47 : memref<64x128xf32, #tpu.memory_space<vmem>>) offsets(%dma_start3A_50 : memref<64xi32, #tpu.memory_space<vmem>>) semaphore(%arg7 : memref<!tpu.dma_semaphore, #tpu.memory_space<semaphore_mem>>)
    %dma_start3A_54 = arith.constant 2 : i32
    %dma_start3A_55 = arith.constant 0 : i32
    %dma_start3A_56 = arith.constant 4 : i32
    %dma_start3A_57 = arith.constant 0 : i32
    %dma_start3A_58 = arith.constant 0 : i32
    %dma_start3A_59 = tpu.memref_slice %arg6[%dma_start3A_55, %dma_start3A_56, %dma_start3A_57, %dma_start3A_58] : memref<2x5x64x128xf32, #tpu.memory_space<vmem>> -> memref<1x1x64x128xf32, #tpu.memory_space<vmem>>
    %dma_start3A_60 = tpu.memref_squeeze %dma_start3A_59 : memref<1x1x64x128xf32, #tpu.memory_space<vmem>> -> memref<64x128xf32, #tpu.memory_space<vmem>>
    %dma_start3A_61 = arith.constant 0 : i32
    %dma_start3A_62 = tpu.memref_slice %arg5[%dma_start3A_54, %dma_start3A_61] : memref<50x128xi32, #tpu.memory_space<vmem>> -> memref<1x64xi32, #tpu.memory_space<vmem>>
    %dma_start3A_63 = tpu.memref_squeeze %dma_start3A_62 : memref<1x64xi32, #tpu.memory_space<vmem>> -> memref<64xi32, #tpu.memory_space<vmem>>
    %dma_start3A_64 = arith.constant 0 : i32
    %dma_start3A_65 = arith.constant 0 : i32
    %dma_start3A_66 = tpu.memref_slice %arg2[%dma_start3A_64, %dma_start3A_65] : memref<10000x128xf32, #tpu.memory_space<hbm>> -> memref<10000x128xf32, #tpu.memory_space<hbm>>
    tpu.enqueue_indirect_dma source(%dma_start3A_66 : memref<10000x128xf32, #tpu.memory_space<hbm>>) target(%dma_start3A_60 : memref<64x128xf32, #tpu.memory_space<vmem>>) offsets(%dma_start3A_63 : memref<64xi32, #tpu.memory_space<vmem>>) semaphore(%arg7 : memref<!tpu.dma_semaphore, #tpu.memory_space<semaphore_mem>>)
    %scan3A = arith.constant 0 : i32
    %scan3A_67 = arith.constant 0 : i32
    %scan3A_68 = arith.constant 10 : i32
    %scan3A_69 = arith.addi %scan3A_67, %scan3A_68 : i32
    %scan3A_70 = arith.constant 1 : i32
    scf.for %scan3A_156 = %scan3A_67 to %scan3A_69 step %scan3A_70  : i32 {
      %mul3A_157 = arith.constant 2 : i32
      %mul3A_158 = arith.muli %mul3A_157, %scan3A_156 : i32
      %add3A_159 = arith.constant 0 : i32
      %add3A_160 = arith.addi %mul3A_158, %add3A_159 : i32
      %dma_wait3A_161 = arith.constant 0 : i32
      %dma_wait3A_162 = arith.constant 0 : i32
      %dma_wait3A_163 = arith.constant 0 : i32
      %dma_wait3A_164 = arith.constant 0 : i32
      %dma_wait3A_165 = arith.constant 0 : i32
      %dma_wait3A_166 = tpu.memref_slice %arg6[%dma_wait3A_162, %dma_wait3A_163, %dma_wait3A_164, %dma_wait3A_165] : memref<2x5x64x128xf32, #tpu.memory_space<vmem>> -> memref<1x1x64x128xf32, #tpu.memory_space<vmem>>
      %dma_wait3A_167 = tpu.memref_squeeze %dma_wait3A_166 : memref<1x1x64x128xf32, #tpu.memory_space<vmem>> -> memref<64x128xf32, #tpu.memory_space<vmem>>
      %dma_wait3A_168 = arith.constant 0 : i32
      %dma_wait3A_169 = tpu.memref_slice %arg5[%dma_wait3A_161, %dma_wait3A_168] : memref<50x128xi32, #tpu.memory_space<vmem>> -> memref<1x64xi32, #tpu.memory_space<vmem>>
      %dma_wait3A_170 = tpu.memref_squeeze %dma_wait3A_169 : memref<1x64xi32, #tpu.memory_space<vmem>> -> memref<64xi32, #tpu.memory_space<vmem>>
      %dma_wait3A_171 = arith.constant 0 : i32
      %dma_wait3A_172 = arith.constant 0 : i32
      %dma_wait3A_173 = tpu.memref_slice %arg2[%dma_wait3A_171, %dma_wait3A_172] : memref<10000x128xf32, #tpu.memory_space<hbm>> -> memref<10000x128xf32, #tpu.memory_space<hbm>>
      tpu.wait_indirect_dma semaphore(%arg7 : memref<!tpu.dma_semaphore, #tpu.memory_space<semaphore_mem>>) src(%dma_wait3A_173 : memref<10000x128xf32, #tpu.memory_space<hbm>>) dst(%dma_wait3A_167 : memref<64x128xf32, #tpu.memory_space<vmem>>)
      %dma_wait3A_174 = arith.constant 0 : i32
      %dma_wait3A_175 = arith.constant 0 : i32
      %dma_wait3A_176 = arith.constant 1 : i32
      %dma_wait3A_177 = arith.constant 0 : i32
      %dma_wait3A_178 = arith.constant 0 : i32
      %dma_wait3A_179 = tpu.memref_slice %arg6[%dma_wait3A_175, %dma_wait3A_176, %dma_wait3A_177, %dma_wait3A_178] : memref<2x5x64x128xf32, #tpu.memory_space<vmem>> -> memref<1x1x64x128xf32, #tpu.memory_space<vmem>>
      %dma_wait3A_180 = tpu.memref_squeeze %dma_wait3A_179 : memref<1x1x64x128xf32, #tpu.memory_space<vmem>> -> memref<64x128xf32, #tpu.memory_space<vmem>>
      %dma_wait3A_181 = arith.constant 0 : i32
      %dma_wait3A_182 = tpu.memref_slice %arg5[%dma_wait3A_174, %dma_wait3A_181] : memref<50x128xi32, #tpu.memory_space<vmem>> -> memref<1x64xi32, #tpu.memory_space<vmem>>
      %dma_wait3A_183 = tpu.memref_squeeze %dma_wait3A_182 : memref<1x64xi32, #tpu.memory_space<vmem>> -> memref<64xi32, #tpu.memory_space<vmem>>
      %dma_wait3A_184 = arith.constant 0 : i32
      %dma_wait3A_185 = arith.constant 0 : i32
      %dma_wait3A_186 = tpu.memref_slice %arg2[%dma_wait3A_184, %dma_wait3A_185] : memref<10000x128xf32, #tpu.memory_space<hbm>> -> memref<10000x128xf32, #tpu.memory_space<hbm>>
      tpu.wait_indirect_dma semaphore(%arg7 : memref<!tpu.dma_semaphore, #tpu.memory_space<semaphore_mem>>) src(%dma_wait3A_186 : memref<10000x128xf32, #tpu.memory_space<hbm>>) dst(%dma_wait3A_180 : memref<64x128xf32, #tpu.memory_space<vmem>>)
      %dma_wait3A_187 = arith.constant 0 : i32
      %dma_wait3A_188 = arith.constant 0 : i32
      %dma_wait3A_189 = arith.constant 2 : i32
      %dma_wait3A_190 = arith.constant 0 : i32
      %dma_wait3A_191 = arith.constant 0 : i32
      %dma_wait3A_192 = tpu.memref_slice %arg6[%dma_wait3A_188, %dma_wait3A_189, %dma_wait3A_190, %dma_wait3A_191] : memref<2x5x64x128xf32, #tpu.memory_space<vmem>> -> memref<1x1x64x128xf32, #tpu.memory_space<vmem>>
      %dma_wait3A_193 = tpu.memref_squeeze %dma_wait3A_192 : memref<1x1x64x128xf32, #tpu.memory_space<vmem>> -> memref<64x128xf32, #tpu.memory_space<vmem>>
      %dma_wait3A_194 = arith.constant 0 : i32
      %dma_wait3A_195 = tpu.memref_slice %arg5[%dma_wait3A_187, %dma_wait3A_194] : memref<50x128xi32, #tpu.memory_space<vmem>> -> memref<1x64xi32, #tpu.memory_space<vmem>>
      %dma_wait3A_196 = tpu.memref_squeeze %dma_wait3A_195 : memref<1x64xi32, #tpu.memory_space<vmem>> -> memref<64xi32, #tpu.memory_space<vmem>>
      %dma_wait3A_197 = arith.constant 0 : i32
      %dma_wait3A_198 = arith.constant 0 : i32
      %dma_wait3A_199 = tpu.memref_slice %arg2[%dma_wait3A_197, %dma_wait3A_198] : memref<10000x128xf32, #tpu.memory_space<hbm>> -> memref<10000x128xf32, #tpu.memory_space<hbm>>
      tpu.wait_indirect_dma semaphore(%arg7 : memref<!tpu.dma_semaphore, #tpu.memory_space<semaphore_mem>>) src(%dma_wait3A_199 : memref<10000x128xf32, #tpu.memory_space<hbm>>) dst(%dma_wait3A_193 : memref<64x128xf32, #tpu.memory_space<vmem>>)
      %dma_wait3A_200 = arith.constant 0 : i32
      %dma_wait3A_201 = arith.constant 0 : i32
      %dma_wait3A_202 = arith.constant 3 : i32
      %dma_wait3A_203 = arith.constant 0 : i32
      %dma_wait3A_204 = arith.constant 0 : i32
      %dma_wait3A_205 = tpu.memref_slice %arg6[%dma_wait3A_201, %dma_wait3A_202, %dma_wait3A_203, %dma_wait3A_204] : memref<2x5x64x128xf32, #tpu.memory_space<vmem>> -> memref<1x1x64x128xf32, #tpu.memory_space<vmem>>
      %dma_wait3A_206 = tpu.memref_squeeze %dma_wait3A_205 : memref<1x1x64x128xf32, #tpu.memory_space<vmem>> -> memref<64x128xf32, #tpu.memory_space<vmem>>
      %dma_wait3A_207 = arith.constant 0 : i32
      %dma_wait3A_208 = tpu.memref_slice %arg5[%dma_wait3A_200, %dma_wait3A_207] : memref<50x128xi32, #tpu.memory_space<vmem>> -> memref<1x64xi32, #tpu.memory_space<vmem>>
      %dma_wait3A_209 = tpu.memref_squeeze %dma_wait3A_208 : memref<1x64xi32, #tpu.memory_space<vmem>> -> memref<64xi32, #tpu.memory_space<vmem>>
      %dma_wait3A_210 = arith.constant 0 : i32
      %dma_wait3A_211 = arith.constant 0 : i32
      %dma_wait3A_212 = tpu.memref_slice %arg2[%dma_wait3A_210, %dma_wait3A_211] : memref<10000x128xf32, #tpu.memory_space<hbm>> -> memref<10000x128xf32, #tpu.memory_space<hbm>>
      tpu.wait_indirect_dma semaphore(%arg7 : memref<!tpu.dma_semaphore, #tpu.memory_space<semaphore_mem>>) src(%dma_wait3A_212 : memref<10000x128xf32, #tpu.memory_space<hbm>>) dst(%dma_wait3A_206 : memref<64x128xf32, #tpu.memory_space<vmem>>)
      %dma_wait3A_213 = arith.constant 0 : i32
      %dma_wait3A_214 = arith.constant 0 : i32
      %dma_wait3A_215 = arith.constant 4 : i32
      %dma_wait3A_216 = arith.constant 0 : i32
      %dma_wait3A_217 = arith.constant 0 : i32
      %dma_wait3A_218 = tpu.memref_slice %arg6[%dma_wait3A_214, %dma_wait3A_215, %dma_wait3A_216, %dma_wait3A_217] : memref<2x5x64x128xf32, #tpu.memory_space<vmem>> -> memref<1x1x64x128xf32, #tpu.memory_space<vmem>>
      %dma_wait3A_219 = tpu.memref_squeeze %dma_wait3A_218 : memref<1x1x64x128xf32, #tpu.memory_space<vmem>> -> memref<64x128xf32, #tpu.memory_space<vmem>>
      %dma_wait3A_220 = arith.constant 0 : i32
      %dma_wait3A_221 = tpu.memref_slice %arg5[%dma_wait3A_213, %dma_wait3A_220] : memref<50x128xi32, #tpu.memory_space<vmem>> -> memref<1x64xi32, #tpu.memory_space<vmem>>
      %dma_wait3A_222 = tpu.memref_squeeze %dma_wait3A_221 : memref<1x64xi32, #tpu.memory_space<vmem>> -> memref<64xi32, #tpu.memory_space<vmem>>
      %dma_wait3A_223 = arith.constant 0 : i32
      %dma_wait3A_224 = arith.constant 0 : i32
      %dma_wait3A_225 = tpu.memref_slice %arg2[%dma_wait3A_223, %dma_wait3A_224] : memref<10000x128xf32, #tpu.memory_space<hbm>> -> memref<10000x128xf32, #tpu.memory_space<hbm>>
      tpu.wait_indirect_dma semaphore(%arg7 : memref<!tpu.dma_semaphore, #tpu.memory_space<semaphore_mem>>) src(%dma_wait3A_225 : memref<10000x128xf32, #tpu.memory_space<hbm>>) dst(%dma_wait3A_219 : memref<64x128xf32, #tpu.memory_space<vmem>>)
      %mul3A_226 = arith.constant 5 : i32
      %mul3A_227 = arith.muli %add3A_160, %mul3A_226 : i32
      %add3A_228 = arith.constant 0 : i32
      %add3A_229 = arith.addi %mul3A_227, %add3A_228 : i32
      %jit3A = arith.constant 2 : i32
      %div3A = arith.divsi %add3A_229, %jit3A : i32
      %sign3A = arith.constant 0 : i32
      %sign3A_230 = arith.cmpi sgt, %add3A_229, %sign3A : i32
      %sign3A_231 = arith.extui %sign3A_230 : i1 to i32
      %sign3A_232 = arith.constant 0 : i32
      %sign3A_233 = arith.cmpi slt, %add3A_229, %sign3A_232 : i32
      %sign3A_234 = arith.extui %sign3A_233 : i1 to i32
      %sign3A_235 = arith.subi %sign3A_231, %sign3A_234 : i32
      %sign3A_236 = arith.constant 0 : i32
      %sign3A_237 = arith.cmpi sgt, %jit3A, %sign3A_236 : i32
      %sign3A_238 = arith.extui %sign3A_237 : i1 to i32
      %sign3A_239 = arith.constant 0 : i32
      %sign3A_240 = arith.cmpi slt, %jit3A, %sign3A_239 : i32
      %sign3A_241 = arith.extui %sign3A_240 : i1 to i32
      %sign3A_242 = arith.subi %sign3A_238, %sign3A_241 : i32
      %ne3A = arith.cmpi ne, %sign3A_235, %sign3A_242 : i32
      %rem3A = arith.remsi %add3A_229, %jit3A : i32
      %ne3A_243 = arith.constant 0 : i32
      %ne3A_244 = arith.cmpi ne, %rem3A, %ne3A_243 : i32
      %and3A = arith.andi %ne3A, %ne3A_244 : i1
      %sub3A = arith.constant 1 : i32
      %sub3A_245 = arith.subi %div3A, %sub3A : i32
      %select_n3A = arith.select %and3A, %sub3A_245, %div3A : i32
      %jit3A_246 = arith.constant 2 : i32
      %eq3A = arith.constant 0 : i32
      %eq3A_247 = arith.cmpi eq, %jit3A_246, %eq3A : i32
      %jit3A_248 = arith.constant 1 : i32
      %select_n3A_249 = arith.select %eq3A_247, %jit3A_248, %jit3A_246 : i32
      %rem3A_250 = arith.remsi %add3A_229, %select_n3A_249 : i32
      %ne3A_251 = arith.constant 0 : i32
      %ne3A_252 = arith.cmpi ne, %rem3A_250, %ne3A_251 : i32
      %lt3A = arith.constant 0 : i32
      %lt3A_253 = arith.cmpi slt, %rem3A_250, %lt3A : i32
      %lt3A_254 = arith.constant 0 : i32
      %lt3A_255 = arith.cmpi slt, %select_n3A_249, %lt3A_254 : i32
      %ne3A_256 = arith.xori %lt3A_253, %lt3A_255 : i1
      %and3A_257 = arith.andi %ne3A_256, %ne3A_252 : i1
      %add3A_258 = arith.addi %rem3A_250, %select_n3A_249 : i32
      %select_n3A_259 = arith.select %and3A_257, %add3A_258, %rem3A_250 : i32
      %mul3A_260 = arith.constant 64 : i32
      %mul3A_261 = arith.muli %select_n3A_259, %mul3A_260 : i32
      %add3A_262 = arith.addi %mul3A_2, %mul3A_261 : i32
      %dma_start3A_263 = arith.constant 0 : i32
      %dma_start3A_264 = arith.constant 0 : i32
      %dma_start3A_265 = arith.constant 0 : i32
      %dma_start3A_266 = arith.constant 0 : i32
      %dma_start3A_267 = tpu.memref_slice %arg6[%dma_start3A_263, %dma_start3A_264, %dma_start3A_265, %dma_start3A_266] : memref<2x5x64x128xf32, #tpu.memory_space<vmem>> -> memref<1x1x64x128xf32, #tpu.memory_space<vmem>>
      %dma_start3A_268 = tpu.memref_squeeze %dma_start3A_267 : memref<1x1x64x128xf32, #tpu.memory_space<vmem>> -> memref<64x128xf32, #tpu.memory_space<vmem>>
      %dma_start3A_269 = arith.constant 0 : i32
      %dma_start3A_270 = tpu.memref_slice %arg4[%select_n3A, %add3A_262, %dma_start3A_269] : memref<50x4096x128xf32, #tpu.memory_space<hbm>> -> memref<1x64x128xf32, #tpu.memory_space<hbm>>
      %dma_start3A_271 = tpu.memref_squeeze %dma_start3A_270 : memref<1x64x128xf32, #tpu.memory_space<hbm>> -> memref<64x128xf32, #tpu.memory_space<hbm>>
      %dma_start3A_272 = arith.constant 0 : i32
      %dma_start3A_273 = tpu.memref_slice %arg4[%select_n3A, %add3A_262, %dma_start3A_272] : memref<50x4096x128xf32, #tpu.memory_space<hbm>> -> memref<1x64x128xf32, #tpu.memory_space<hbm>>
      %dma_start3A_274 = tpu.memref_squeeze %dma_start3A_273 : memref<1x64x128xf32, #tpu.memory_space<hbm>> -> memref<64x128xf32, #tpu.memory_space<hbm>>
      %dma_start3A_275 = arith.constant 0 : i32
      %dma_start3A_276 = arith.constant 0 : i32
      %dma_start3A_277 = tpu.memref_slice %arg6[%dma_start3A_263, %dma_start3A_264, %dma_start3A_275, %dma_start3A_276] : memref<2x5x64x128xf32, #tpu.memory_space<vmem>> -> memref<1x1x64x128xf32, #tpu.memory_space<vmem>>
      %dma_start3A_278 = tpu.memref_squeeze %dma_start3A_277 : memref<1x1x64x128xf32, #tpu.memory_space<vmem>> -> memref<64x128xf32, #tpu.memory_space<vmem>>
      tpu.enqueue_dma source(%dma_start3A_278 : memref<64x128xf32, #tpu.memory_space<vmem>>) target(%dma_start3A_274 : memref<64x128xf32, #tpu.memory_space<hbm>>) target_semaphore(%arg8 : memref<!tpu.dma_semaphore, #tpu.memory_space<semaphore_mem>>)
      %mul3A_279 = arith.constant 5 : i32
      %mul3A_280 = arith.muli %add3A_160, %mul3A_279 : i32
      %add3A_281 = arith.constant 1 : i32
      %add3A_282 = arith.addi %mul3A_280, %add3A_281 : i32
      %jit3A_283 = arith.constant 2 : i32
      %div3A_284 = arith.divsi %add3A_282, %jit3A_283 : i32
      %sign3A_285 = arith.constant 0 : i32
      %sign3A_286 = arith.cmpi sgt, %add3A_282, %sign3A_285 : i32
      %sign3A_287 = arith.extui %sign3A_286 : i1 to i32
      %sign3A_288 = arith.constant 0 : i32
      %sign3A_289 = arith.cmpi slt, %add3A_282, %sign3A_288 : i32
      %sign3A_290 = arith.extui %sign3A_289 : i1 to i32
      %sign3A_291 = arith.subi %sign3A_287, %sign3A_290 : i32
      %sign3A_292 = arith.constant 0 : i32
      %sign3A_293 = arith.cmpi sgt, %jit3A_283, %sign3A_292 : i32
      %sign3A_294 = arith.extui %sign3A_293 : i1 to i32
      %sign3A_295 = arith.constant 0 : i32
      %sign3A_296 = arith.cmpi slt, %jit3A_283, %sign3A_295 : i32
      %sign3A_297 = arith.extui %sign3A_296 : i1 to i32
      %sign3A_298 = arith.subi %sign3A_294, %sign3A_297 : i32
      %ne3A_299 = arith.cmpi ne, %sign3A_291, %sign3A_298 : i32
      %rem3A_300 = arith.remsi %add3A_282, %jit3A_283 : i32
      %ne3A_301 = arith.constant 0 : i32
      %ne3A_302 = arith.cmpi ne, %rem3A_300, %ne3A_301 : i32
      %and3A_303 = arith.andi %ne3A_299, %ne3A_302 : i1
      %sub3A_304 = arith.constant 1 : i32
      %sub3A_305 = arith.subi %div3A_284, %sub3A_304 : i32
      %select_n3A_306 = arith.select %and3A_303, %sub3A_305, %div3A_284 : i32
      %jit3A_307 = arith.constant 2 : i32
      %eq3A_308 = arith.constant 0 : i32
      %eq3A_309 = arith.cmpi eq, %jit3A_307, %eq3A_308 : i32
      %jit3A_310 = arith.constant 1 : i32
      %select_n3A_311 = arith.select %eq3A_309, %jit3A_310, %jit3A_307 : i32
      %rem3A_312 = arith.remsi %add3A_282, %select_n3A_311 : i32
      %ne3A_313 = arith.constant 0 : i32
      %ne3A_314 = arith.cmpi ne, %rem3A_312, %ne3A_313 : i32
      %lt3A_315 = arith.constant 0 : i32
      %lt3A_316 = arith.cmpi slt, %rem3A_312, %lt3A_315 : i32
      %lt3A_317 = arith.constant 0 : i32
      %lt3A_318 = arith.cmpi slt, %select_n3A_311, %lt3A_317 : i32
      %ne3A_319 = arith.xori %lt3A_316, %lt3A_318 : i1
      %and3A_320 = arith.andi %ne3A_319, %ne3A_314 : i1
      %add3A_321 = arith.addi %rem3A_312, %select_n3A_311 : i32
      %select_n3A_322 = arith.select %and3A_320, %add3A_321, %rem3A_312 : i32
      %mul3A_323 = arith.constant 64 : i32
      %mul3A_324 = arith.muli %select_n3A_322, %mul3A_323 : i32
      %add3A_325 = arith.addi %mul3A_2, %mul3A_324 : i32
      %dma_start3A_326 = arith.constant 0 : i32
      %dma_start3A_327 = arith.constant 1 : i32
      %dma_start3A_328 = arith.constant 0 : i32
      %dma_start3A_329 = arith.constant 0 : i32
      %dma_start3A_330 = tpu.memref_slice %arg6[%dma_start3A_326, %dma_start3A_327, %dma_start3A_328, %dma_start3A_329] : memref<2x5x64x128xf32, #tpu.memory_space<vmem>> -> memref<1x1x64x128xf32, #tpu.memory_space<vmem>>
      %dma_start3A_331 = tpu.memref_squeeze %dma_start3A_330 : memref<1x1x64x128xf32, #tpu.memory_space<vmem>> -> memref<64x128xf32, #tpu.memory_space<vmem>>
      %dma_start3A_332 = arith.constant 0 : i32
      %dma_start3A_333 = tpu.memref_slice %arg4[%select_n3A_306, %add3A_325, %dma_start3A_332] : memref<50x4096x128xf32, #tpu.memory_space<hbm>> -> memref<1x64x128xf32, #tpu.memory_space<hbm>>
      %dma_start3A_334 = tpu.memref_squeeze %dma_start3A_333 : memref<1x64x128xf32, #tpu.memory_space<hbm>> -> memref<64x128xf32, #tpu.memory_space<hbm>>
      %dma_start3A_335 = arith.constant 0 : i32
      %dma_start3A_336 = tpu.memref_slice %arg4[%select_n3A_306, %add3A_325, %dma_start3A_335] : memref<50x4096x128xf32, #tpu.memory_space<hbm>> -> memref<1x64x128xf32, #tpu.memory_space<hbm>>
      %dma_start3A_337 = tpu.memref_squeeze %dma_start3A_336 : memref<1x64x128xf32, #tpu.memory_space<hbm>> -> memref<64x128xf32, #tpu.memory_space<hbm>>
      %dma_start3A_338 = arith.constant 0 : i32
      %dma_start3A_339 = arith.constant 0 : i32
      %dma_start3A_340 = tpu.memref_slice %arg6[%dma_start3A_326, %dma_start3A_327, %dma_start3A_338, %dma_start3A_339] : memref<2x5x64x128xf32, #tpu.memory_space<vmem>> -> memref<1x1x64x128xf32, #tpu.memory_space<vmem>>
      %dma_start3A_341 = tpu.memref_squeeze %dma_start3A_340 : memref<1x1x64x128xf32, #tpu.memory_space<vmem>> -> memref<64x128xf32, #tpu.memory_space<vmem>>
      tpu.enqueue_dma source(%dma_start3A_341 : memref<64x128xf32, #tpu.memory_space<vmem>>) target(%dma_start3A_337 : memref<64x128xf32, #tpu.memory_space<hbm>>) target_semaphore(%arg8 : memref<!tpu.dma_semaphore, #tpu.memory_space<semaphore_mem>>)
      %mul3A_342 = arith.constant 5 : i32
      %mul3A_343 = arith.muli %add3A_160, %mul3A_342 : i32
      %add3A_344 = arith.constant 2 : i32
      %add3A_345 = arith.addi %mul3A_343, %add3A_344 : i32
      %jit3A_346 = arith.constant 2 : i32
      %div3A_347 = arith.divsi %add3A_345, %jit3A_346 : i32
      %sign3A_348 = arith.constant 0 : i32
      %sign3A_349 = arith.cmpi sgt, %add3A_345, %sign3A_348 : i32
      %sign3A_350 = arith.extui %sign3A_349 : i1 to i32
      %sign3A_351 = arith.constant 0 : i32
      %sign3A_352 = arith.cmpi slt, %add3A_345, %sign3A_351 : i32
      %sign3A_353 = arith.extui %sign3A_352 : i1 to i32
      %sign3A_354 = arith.subi %sign3A_350, %sign3A_353 : i32
      %sign3A_355 = arith.constant 0 : i32
      %sign3A_356 = arith.cmpi sgt, %jit3A_346, %sign3A_355 : i32
      %sign3A_357 = arith.extui %sign3A_356 : i1 to i32
      %sign3A_358 = arith.constant 0 : i32
      %sign3A_359 = arith.cmpi slt, %jit3A_346, %sign3A_358 : i32
      %sign3A_360 = arith.extui %sign3A_359 : i1 to i32
      %sign3A_361 = arith.subi %sign3A_357, %sign3A_360 : i32
      %ne3A_362 = arith.cmpi ne, %sign3A_354, %sign3A_361 : i32
      %rem3A_363 = arith.remsi %add3A_345, %jit3A_346 : i32
      %ne3A_364 = arith.constant 0 : i32
      %ne3A_365 = arith.cmpi ne, %rem3A_363, %ne3A_364 : i32
      %and3A_366 = arith.andi %ne3A_362, %ne3A_365 : i1
      %sub3A_367 = arith.constant 1 : i32
      %sub3A_368 = arith.subi %div3A_347, %sub3A_367 : i32
      %select_n3A_369 = arith.select %and3A_366, %sub3A_368, %div3A_347 : i32
      %jit3A_370 = arith.constant 2 : i32
      %eq3A_371 = arith.constant 0 : i32
      %eq3A_372 = arith.cmpi eq, %jit3A_370, %eq3A_371 : i32
      %jit3A_373 = arith.constant 1 : i32
      %select_n3A_374 = arith.select %eq3A_372, %jit3A_373, %jit3A_370 : i32
      %rem3A_375 = arith.remsi %add3A_345, %select_n3A_374 : i32
      %ne3A_376 = arith.constant 0 : i32
      %ne3A_377 = arith.cmpi ne, %rem3A_375, %ne3A_376 : i32
      %lt3A_378 = arith.constant 0 : i32
      %lt3A_379 = arith.cmpi slt, %rem3A_375, %lt3A_378 : i32
      %lt3A_380 = arith.constant 0 : i32
      %lt3A_381 = arith.cmpi slt, %select_n3A_374, %lt3A_380 : i32
      %ne3A_382 = arith.xori %lt3A_379, %lt3A_381 : i1
      %and3A_383 = arith.andi %ne3A_382, %ne3A_377 : i1
      %add3A_384 = arith.addi %rem3A_375, %select_n3A_374 : i32
      %select_n3A_385 = arith.select %and3A_383, %add3A_384, %rem3A_375 : i32
      %mul3A_386 = arith.constant 64 : i32
      %mul3A_387 = arith.muli %select_n3A_385, %mul3A_386 : i32
      %add3A_388 = arith.addi %mul3A_2, %mul3A_387 : i32
      %dma_start3A_389 = arith.constant 0 : i32
      %dma_start3A_390 = arith.constant 2 : i32
      %dma_start3A_391 = arith.constant 0 : i32
      %dma_start3A_392 = arith.constant 0 : i32
      %dma_start3A_393 = tpu.memref_slice %arg6[%dma_start3A_389, %dma_start3A_390, %dma_start3A_391, %dma_start3A_392] : memref<2x5x64x128xf32, #tpu.memory_space<vmem>> -> memref<1x1x64x128xf32, #tpu.memory_space<vmem>>
      %dma_start3A_394 = tpu.memref_squeeze %dma_start3A_393 : memref<1x1x64x128xf32, #tpu.memory_space<vmem>> -> memref<64x128xf32, #tpu.memory_space<vmem>>
      %dma_start3A_395 = arith.constant 0 : i32
      %dma_start3A_396 = tpu.memref_slice %arg4[%select_n3A_369, %add3A_388, %dma_start3A_395] : memref<50x4096x128xf32, #tpu.memory_space<hbm>> -> memref<1x64x128xf32, #tpu.memory_space<hbm>>
      %dma_start3A_397 = tpu.memref_squeeze %dma_start3A_396 : memref<1x64x128xf32, #tpu.memory_space<hbm>> -> memref<64x128xf32, #tpu.memory_space<hbm>>
      %dma_start3A_398 = arith.constant 0 : i32
      %dma_start3A_399 = tpu.memref_slice %arg4[%select_n3A_369, %add3A_388, %dma_start3A_398] : memref<50x4096x128xf32, #tpu.memory_space<hbm>> -> memref<1x64x128xf32, #tpu.memory_space<hbm>>
      %dma_start3A_400 = tpu.memref_squeeze %dma_start3A_399 : memref<1x64x128xf32, #tpu.memory_space<hbm>> -> memref<64x128xf32, #tpu.memory_space<hbm>>
      %dma_start3A_401 = arith.constant 0 : i32
      %dma_start3A_402 = arith.constant 0 : i32
      %dma_start3A_403 = tpu.memref_slice %arg6[%dma_start3A_389, %dma_start3A_390, %dma_start3A_401, %dma_start3A_402] : memref<2x5x64x128xf32, #tpu.memory_space<vmem>> -> memref<1x1x64x128xf32, #tpu.memory_space<vmem>>
      %dma_start3A_404 = tpu.memref_squeeze %dma_start3A_403 : memref<1x1x64x128xf32, #tpu.memory_space<vmem>> -> memref<64x128xf32, #tpu.memory_space<vmem>>
      tpu.enqueue_dma source(%dma_start3A_404 : memref<64x128xf32, #tpu.memory_space<vmem>>) target(%dma_start3A_400 : memref<64x128xf32, #tpu.memory_space<hbm>>) target_semaphore(%arg8 : memref<!tpu.dma_semaphore, #tpu.memory_space<semaphore_mem>>)
      %mul3A_405 = arith.constant 5 : i32
      %mul3A_406 = arith.muli %add3A_160, %mul3A_405 : i32
      %add3A_407 = arith.constant 3 : i32
      %add3A_408 = arith.addi %mul3A_406, %add3A_407 : i32
      %jit3A_409 = arith.constant 2 : i32
      %div3A_410 = arith.divsi %add3A_408, %jit3A_409 : i32
      %sign3A_411 = arith.constant 0 : i32
      %sign3A_412 = arith.cmpi sgt, %add3A_408, %sign3A_411 : i32
      %sign3A_413 = arith.extui %sign3A_412 : i1 to i32
      %sign3A_414 = arith.constant 0 : i32
      %sign3A_415 = arith.cmpi slt, %add3A_408, %sign3A_414 : i32
      %sign3A_416 = arith.extui %sign3A_415 : i1 to i32
      %sign3A_417 = arith.subi %sign3A_413, %sign3A_416 : i32
      %sign3A_418 = arith.constant 0 : i32
      %sign3A_419 = arith.cmpi sgt, %jit3A_409, %sign3A_418 : i32
      %sign3A_420 = arith.extui %sign3A_419 : i1 to i32
      %sign3A_421 = arith.constant 0 : i32
      %sign3A_422 = arith.cmpi slt, %jit3A_409, %sign3A_421 : i32
      %sign3A_423 = arith.extui %sign3A_422 : i1 to i32
      %sign3A_424 = arith.subi %sign3A_420, %sign3A_423 : i32
      %ne3A_425 = arith.cmpi ne, %sign3A_417, %sign3A_424 : i32
      %rem3A_426 = arith.remsi %add3A_408, %jit3A_409 : i32
      %ne3A_427 = arith.constant 0 : i32
      %ne3A_428 = arith.cmpi ne, %rem3A_426, %ne3A_427 : i32
      %and3A_429 = arith.andi %ne3A_425, %ne3A_428 : i1
      %sub3A_430 = arith.constant 1 : i32
      %sub3A_431 = arith.subi %div3A_410, %sub3A_430 : i32
      %select_n3A_432 = arith.select %and3A_429, %sub3A_431, %div3A_410 : i32
      %jit3A_433 = arith.constant 2 : i32
      %eq3A_434 = arith.constant 0 : i32
      %eq3A_435 = arith.cmpi eq, %jit3A_433, %eq3A_434 : i32
      %jit3A_436 = arith.constant 1 : i32
      %select_n3A_437 = arith.select %eq3A_435, %jit3A_436, %jit3A_433 : i32
      %rem3A_438 = arith.remsi %add3A_408, %select_n3A_437 : i32
      %ne3A_439 = arith.constant 0 : i32
      %ne3A_440 = arith.cmpi ne, %rem3A_438, %ne3A_439 : i32
      %lt3A_441 = arith.constant 0 : i32
      %lt3A_442 = arith.cmpi slt, %rem3A_438, %lt3A_441 : i32
      %lt3A_443 = arith.constant 0 : i32
      %lt3A_444 = arith.cmpi slt, %select_n3A_437, %lt3A_443 : i32
      %ne3A_445 = arith.xori %lt3A_442, %lt3A_444 : i1
      %and3A_446 = arith.andi %ne3A_445, %ne3A_440 : i1
      %add3A_447 = arith.addi %rem3A_438, %select_n3A_437 : i32
      %select_n3A_448 = arith.select %and3A_446, %add3A_447, %rem3A_438 : i32
      %mul3A_449 = arith.constant 64 : i32
      %mul3A_450 = arith.muli %select_n3A_448, %mul3A_449 : i32
      %add3A_451 = arith.addi %mul3A_2, %mul3A_450 : i32
      %dma_start3A_452 = arith.constant 0 : i32
      %dma_start3A_453 = arith.constant 3 : i32
      %dma_start3A_454 = arith.constant 0 : i32
      %dma_start3A_455 = arith.constant 0 : i32
      %dma_start3A_456 = tpu.memref_slice %arg6[%dma_start3A_452, %dma_start3A_453, %dma_start3A_454, %dma_start3A_455] : memref<2x5x64x128xf32, #tpu.memory_space<vmem>> -> memref<1x1x64x128xf32, #tpu.memory_space<vmem>>
      %dma_start3A_457 = tpu.memref_squeeze %dma_start3A_456 : memref<1x1x64x128xf32, #tpu.memory_space<vmem>> -> memref<64x128xf32, #tpu.memory_space<vmem>>
      %dma_start3A_458 = arith.constant 0 : i32
      %dma_start3A_459 = tpu.memref_slice %arg4[%select_n3A_432, %add3A_451, %dma_start3A_458] : memref<50x4096x128xf32, #tpu.memory_space<hbm>> -> memref<1x64x128xf32, #tpu.memory_space<hbm>>
      %dma_start3A_460 = tpu.memref_squeeze %dma_start3A_459 : memref<1x64x128xf32, #tpu.memory_space<hbm>> -> memref<64x128xf32, #tpu.memory_space<hbm>>
      %dma_start3A_461 = arith.constant 0 : i32
      %dma_start3A_462 = tpu.memref_slice %arg4[%select_n3A_432, %add3A_451, %dma_start3A_461] : memref<50x4096x128xf32, #tpu.memory_space<hbm>> -> memref<1x64x128xf32, #tpu.memory_space<hbm>>
      %dma_start3A_463 = tpu.memref_squeeze %dma_start3A_462 : memref<1x64x128xf32, #tpu.memory_space<hbm>> -> memref<64x128xf32, #tpu.memory_space<hbm>>
      %dma_start3A_464 = arith.constant 0 : i32
      %dma_start3A_465 = arith.constant 0 : i32
      %dma_start3A_466 = tpu.memref_slice %arg6[%dma_start3A_452, %dma_start3A_453, %dma_start3A_464, %dma_start3A_465] : memref<2x5x64x128xf32, #tpu.memory_space<vmem>> -> memref<1x1x64x128xf32, #tpu.memory_space<vmem>>
      %dma_start3A_467 = tpu.memref_squeeze %dma_start3A_466 : memref<1x1x64x128xf32, #tpu.memory_space<vmem>> -> memref<64x128xf32, #tpu.memory_space<vmem>>
      tpu.enqueue_dma source(%dma_start3A_467 : memref<64x128xf32, #tpu.memory_space<vmem>>) target(%dma_start3A_463 : memref<64x128xf32, #tpu.memory_space<hbm>>) target_semaphore(%arg8 : memref<!tpu.dma_semaphore, #tpu.memory_space<semaphore_mem>>)
      %mul3A_468 = arith.constant 5 : i32
      %mul3A_469 = arith.muli %add3A_160, %mul3A_468 : i32
      %add3A_470 = arith.constant 4 : i32
      %add3A_471 = arith.addi %mul3A_469, %add3A_470 : i32
      %jit3A_472 = arith.constant 2 : i32
      %div3A_473 = arith.divsi %add3A_471, %jit3A_472 : i32
      %sign3A_474 = arith.constant 0 : i32
      %sign3A_475 = arith.cmpi sgt, %add3A_471, %sign3A_474 : i32
      %sign3A_476 = arith.extui %sign3A_475 : i1 to i32
      %sign3A_477 = arith.constant 0 : i32
      %sign3A_478 = arith.cmpi slt, %add3A_471, %sign3A_477 : i32
      %sign3A_479 = arith.extui %sign3A_478 : i1 to i32
      %sign3A_480 = arith.subi %sign3A_476, %sign3A_479 : i32
      %sign3A_481 = arith.constant 0 : i32
      %sign3A_482 = arith.cmpi sgt, %jit3A_472, %sign3A_481 : i32
      %sign3A_483 = arith.extui %sign3A_482 : i1 to i32
      %sign3A_484 = arith.constant 0 : i32
      %sign3A_485 = arith.cmpi slt, %jit3A_472, %sign3A_484 : i32
      %sign3A_486 = arith.extui %sign3A_485 : i1 to i32
      %sign3A_487 = arith.subi %sign3A_483, %sign3A_486 : i32
      %ne3A_488 = arith.cmpi ne, %sign3A_480, %sign3A_487 : i32
      %rem3A_489 = arith.remsi %add3A_471, %jit3A_472 : i32
      %ne3A_490 = arith.constant 0 : i32
      %ne3A_491 = arith.cmpi ne, %rem3A_489, %ne3A_490 : i32
      %and3A_492 = arith.andi %ne3A_488, %ne3A_491 : i1
      %sub3A_493 = arith.constant 1 : i32
      %sub3A_494 = arith.subi %div3A_473, %sub3A_493 : i32
      %select_n3A_495 = arith.select %and3A_492, %sub3A_494, %div3A_473 : i32
      %jit3A_496 = arith.constant 2 : i32
      %eq3A_497 = arith.constant 0 : i32
      %eq3A_498 = arith.cmpi eq, %jit3A_496, %eq3A_497 : i32
      %jit3A_499 = arith.constant 1 : i32
      %select_n3A_500 = arith.select %eq3A_498, %jit3A_499, %jit3A_496 : i32
      %rem3A_501 = arith.remsi %add3A_471, %select_n3A_500 : i32
      %ne3A_502 = arith.constant 0 : i32
      %ne3A_503 = arith.cmpi ne, %rem3A_501, %ne3A_502 : i32
      %lt3A_504 = arith.constant 0 : i32
      %lt3A_505 = arith.cmpi slt, %rem3A_501, %lt3A_504 : i32
      %lt3A_506 = arith.constant 0 : i32
      %lt3A_507 = arith.cmpi slt, %select_n3A_500, %lt3A_506 : i32
      %ne3A_508 = arith.xori %lt3A_505, %lt3A_507 : i1
      %and3A_509 = arith.andi %ne3A_508, %ne3A_503 : i1
      %add3A_510 = arith.addi %rem3A_501, %select_n3A_500 : i32
      %select_n3A_511 = arith.select %and3A_509, %add3A_510, %rem3A_501 : i32
      %mul3A_512 = arith.constant 64 : i32
      %mul3A_513 = arith.muli %select_n3A_511, %mul3A_512 : i32
      %add3A_514 = arith.addi %mul3A_2, %mul3A_513 : i32
      %dma_start3A_515 = arith.constant 0 : i32
      %dma_start3A_516 = arith.constant 4 : i32
      %dma_start3A_517 = arith.constant 0 : i32
      %dma_start3A_518 = arith.constant 0 : i32
      %dma_start3A_519 = tpu.memref_slice %arg6[%dma_start3A_515, %dma_start3A_516, %dma_start3A_517, %dma_start3A_518] : memref<2x5x64x128xf32, #tpu.memory_space<vmem>> -> memref<1x1x64x128xf32, #tpu.memory_space<vmem>>
      %dma_start3A_520 = tpu.memref_squeeze %dma_start3A_519 : memref<1x1x64x128xf32, #tpu.memory_space<vmem>> -> memref<64x128xf32, #tpu.memory_space<vmem>>
      %dma_start3A_521 = arith.constant 0 : i32
      %dma_start3A_522 = tpu.memref_slice %arg4[%select_n3A_495, %add3A_514, %dma_start3A_521] : memref<50x4096x128xf32, #tpu.memory_space<hbm>> -> memref<1x64x128xf32, #tpu.memory_space<hbm>>
      %dma_start3A_523 = tpu.memref_squeeze %dma_start3A_522 : memref<1x64x128xf32, #tpu.memory_space<hbm>> -> memref<64x128xf32, #tpu.memory_space<hbm>>
      %dma_start3A_524 = arith.constant 0 : i32
      %dma_start3A_525 = tpu.memref_slice %arg4[%select_n3A_495, %add3A_514, %dma_start3A_524] : memref<50x4096x128xf32, #tpu.memory_space<hbm>> -> memref<1x64x128xf32, #tpu.memory_space<hbm>>
      %dma_start3A_526 = tpu.memref_squeeze %dma_start3A_525 : memref<1x64x128xf32, #tpu.memory_space<hbm>> -> memref<64x128xf32, #tpu.memory_space<hbm>>
      %dma_start3A_527 = arith.constant 0 : i32
      %dma_start3A_528 = arith.constant 0 : i32
      %dma_start3A_529 = tpu.memref_slice %arg6[%dma_start3A_515, %dma_start3A_516, %dma_start3A_527, %dma_start3A_528] : memref<2x5x64x128xf32, #tpu.memory_space<vmem>> -> memref<1x1x64x128xf32, #tpu.memory_space<vmem>>
      %dma_start3A_530 = tpu.memref_squeeze %dma_start3A_529 : memref<1x1x64x128xf32, #tpu.memory_space<vmem>> -> memref<64x128xf32, #tpu.memory_space<vmem>>
      tpu.enqueue_dma source(%dma_start3A_530 : memref<64x128xf32, #tpu.memory_space<vmem>>) target(%dma_start3A_526 : memref<64x128xf32, #tpu.memory_space<hbm>>) target_semaphore(%arg8 : memref<!tpu.dma_semaphore, #tpu.memory_space<semaphore_mem>>)
      %ge3A = arith.constant 1 : i32
      %ge3A_531 = arith.cmpi sge, %add3A_160, %ge3A : i32
      %convert_element_type3A = arith.extui %ge3A_531 : i1 to i32
      %cond3A = arith.constant 0 : i32
      %cond3A_532 = arith.cmpi ne, %convert_element_type3A, %cond3A : i32
      scf.if %cond3A_532 {
        %dma_wait3A_936 = arith.constant 1 : i32
        %dma_wait3A_937 = arith.constant 0 : i32
        %dma_wait3A_938 = arith.constant 0 : i32
        %dma_wait3A_939 = arith.constant 0 : i32
        %dma_wait3A_940 = arith.constant 0 : i32
        %dma_wait3A_941 = tpu.memref_slice %arg6[%dma_wait3A_936, %dma_wait3A_937, %dma_wait3A_939, %dma_wait3A_940] : memref<2x5x64x128xf32, #tpu.memory_space<vmem>> -> memref<1x1x64x128xf32, #tpu.memory_space<vmem>>
        %dma_wait3A_942 = tpu.memref_squeeze %dma_wait3A_941 : memref<1x1x64x128xf32, #tpu.memory_space<vmem>> -> memref<64x128xf32, #tpu.memory_space<vmem>>
        %dma_wait3A_943 = arith.constant 0 : i32
        %dma_wait3A_944 = tpu.memref_slice %arg4[%dma_wait3A_938, %mul3A_2, %dma_wait3A_943] : memref<50x4096x128xf32, #tpu.memory_space<hbm>> -> memref<1x64x128xf32, #tpu.memory_space<hbm>>
        %dma_wait3A_945 = tpu.memref_squeeze %dma_wait3A_944 : memref<1x64x128xf32, #tpu.memory_space<hbm>> -> memref<64x128xf32, #tpu.memory_space<hbm>>
        %dma_wait3A_946 = arith.constant 0 : i32
        %dma_wait3A_947 = tpu.memref_slice %arg4[%dma_wait3A_938, %mul3A_2, %dma_wait3A_946] : memref<50x4096x128xf32, #tpu.memory_space<hbm>> -> memref<1x64x128xf32, #tpu.memory_space<hbm>>
        %dma_wait3A_948 = tpu.memref_squeeze %dma_wait3A_947 : memref<1x64x128xf32, #tpu.memory_space<hbm>> -> memref<64x128xf32, #tpu.memory_space<hbm>>
        %dma_wait3A_949 = arith.constant 0 : i32
        %dma_wait3A_950 = arith.constant 0 : i32
        %dma_wait3A_951 = tpu.memref_slice %arg6[%dma_wait3A_936, %dma_wait3A_937, %dma_wait3A_949, %dma_wait3A_950] : memref<2x5x64x128xf32, #tpu.memory_space<vmem>> -> memref<1x1x64x128xf32, #tpu.memory_space<vmem>>
        %dma_wait3A_952 = tpu.memref_squeeze %dma_wait3A_951 : memref<1x1x64x128xf32, #tpu.memory_space<vmem>> -> memref<64x128xf32, #tpu.memory_space<vmem>>
        tpu.wait_dma2 semaphore(%arg9 : memref<!tpu.dma_semaphore, #tpu.memory_space<semaphore_mem>>) src(%dma_wait3A_952 : memref<64x128xf32, #tpu.memory_space<vmem>>) dst(%dma_wait3A_948 : memref<64x128xf32, #tpu.memory_space<hbm>>)
        %dma_wait3A_953 = arith.constant 1 : i32
        %dma_wait3A_954 = arith.constant 1 : i32
        %dma_wait3A_955 = arith.constant 0 : i32
        %dma_wait3A_956 = arith.constant 0 : i32
        %dma_wait3A_957 = arith.constant 0 : i32
        %dma_wait3A_958 = tpu.memref_slice %arg6[%dma_wait3A_953, %dma_wait3A_954, %dma_wait3A_956, %dma_wait3A_957] : memref<2x5x64x128xf32, #tpu.memory_space<vmem>> -> memref<1x1x64x128xf32, #tpu.memory_space<vmem>>
        %dma_wait3A_959 = tpu.memref_squeeze %dma_wait3A_958 : memref<1x1x64x128xf32, #tpu.memory_space<vmem>> -> memref<64x128xf32, #tpu.memory_space<vmem>>
        %dma_wait3A_960 = arith.constant 0 : i32
        %dma_wait3A_961 = tpu.memref_slice %arg4[%dma_wait3A_955, %mul3A_2, %dma_wait3A_960] : memref<50x4096x128xf32, #tpu.memory_space<hbm>> -> memref<1x64x128xf32, #tpu.memory_space<hbm>>
        %dma_wait3A_962 = tpu.memref_squeeze %dma_wait3A_961 : memref<1x64x128xf32, #tpu.memory_space<hbm>> -> memref<64x128xf32, #tpu.memory_space<hbm>>
        %dma_wait3A_963 = arith.constant 0 : i32
        %dma_wait3A_964 = tpu.memref_slice %arg4[%dma_wait3A_955, %mul3A_2, %dma_wait3A_963] : memref<50x4096x128xf32, #tpu.memory_space<hbm>> -> memref<1x64x128xf32, #tpu.memory_space<hbm>>
        %dma_wait3A_965 = tpu.memref_squeeze %dma_wait3A_964 : memref<1x64x128xf32, #tpu.memory_space<hbm>> -> memref<64x128xf32, #tpu.memory_space<hbm>>
        %dma_wait3A_966 = arith.constant 0 : i32
        %dma_wait3A_967 = arith.constant 0 : i32
        %dma_wait3A_968 = tpu.memref_slice %arg6[%dma_wait3A_953, %dma_wait3A_954, %dma_wait3A_966, %dma_wait3A_967] : memref<2x5x64x128xf32, #tpu.memory_space<vmem>> -> memref<1x1x64x128xf32, #tpu.memory_space<vmem>>
        %dma_wait3A_969 = tpu.memref_squeeze %dma_wait3A_968 : memref<1x1x64x128xf32, #tpu.memory_space<vmem>> -> memref<64x128xf32, #tpu.memory_space<vmem>>
        tpu.wait_dma2 semaphore(%arg9 : memref<!tpu.dma_semaphore, #tpu.memory_space<semaphore_mem>>) src(%dma_wait3A_969 : memref<64x128xf32, #tpu.memory_space<vmem>>) dst(%dma_wait3A_965 : memref<64x128xf32, #tpu.memory_space<hbm>>)
        %dma_wait3A_970 = arith.constant 1 : i32
        %dma_wait3A_971 = arith.constant 2 : i32
        %dma_wait3A_972 = arith.constant 0 : i32
        %dma_wait3A_973 = arith.constant 0 : i32
        %dma_wait3A_974 = arith.constant 0 : i32
        %dma_wait3A_975 = tpu.memref_slice %arg6[%dma_wait3A_970, %dma_wait3A_971, %dma_wait3A_973, %dma_wait3A_974] : memref<2x5x64x128xf32, #tpu.memory_space<vmem>> -> memref<1x1x64x128xf32, #tpu.memory_space<vmem>>
        %dma_wait3A_976 = tpu.memref_squeeze %dma_wait3A_975 : memref<1x1x64x128xf32, #tpu.memory_space<vmem>> -> memref<64x128xf32, #tpu.memory_space<vmem>>
        %dma_wait3A_977 = arith.constant 0 : i32
        %dma_wait3A_978 = tpu.memref_slice %arg4[%dma_wait3A_972, %mul3A_2, %dma_wait3A_977] : memref<50x4096x128xf32, #tpu.memory_space<hbm>> -> memref<1x64x128xf32, #tpu.memory_space<hbm>>
        %dma_wait3A_979 = tpu.memref_squeeze %dma_wait3A_978 : memref<1x64x128xf32, #tpu.memory_space<hbm>> -> memref<64x128xf32, #tpu.memory_space<hbm>>
        %dma_wait3A_980 = arith.constant 0 : i32
        %dma_wait3A_981 = tpu.memref_slice %arg4[%dma_wait3A_972, %mul3A_2, %dma_wait3A_980] : memref<50x4096x128xf32, #tpu.memory_space<hbm>> -> memref<1x64x128xf32, #tpu.memory_space<hbm>>
        %dma_wait3A_982 = tpu.memref_squeeze %dma_wait3A_981 : memref<1x64x128xf32, #tpu.memory_space<hbm>> -> memref<64x128xf32, #tpu.memory_space<hbm>>
        %dma_wait3A_983 = arith.constant 0 : i32
        %dma_wait3A_984 = arith.constant 0 : i32
        %dma_wait3A_985 = tpu.memref_slice %arg6[%dma_wait3A_970, %dma_wait3A_971, %dma_wait3A_983, %dma_wait3A_984] : memref<2x5x64x128xf32, #tpu.memory_space<vmem>> -> memref<1x1x64x128xf32, #tpu.memory_space<vmem>>
        %dma_wait3A_986 = tpu.memref_squeeze %dma_wait3A_985 : memref<1x1x64x128xf32, #tpu.memory_space<vmem>> -> memref<64x128xf32, #tpu.memory_space<vmem>>
        tpu.wait_dma2 semaphore(%arg9 : memref<!tpu.dma_semaphore, #tpu.memory_space<semaphore_mem>>) src(%dma_wait3A_986 : memref<64x128xf32, #tpu.memory_space<vmem>>) dst(%dma_wait3A_982 : memref<64x128xf32, #tpu.memory_space<hbm>>)
        %dma_wait3A_987 = arith.constant 1 : i32
        %dma_wait3A_988 = arith.constant 3 : i32
        %dma_wait3A_989 = arith.constant 0 : i32
        %dma_wait3A_990 = arith.constant 0 : i32
        %dma_wait3A_991 = arith.constant 0 : i32
        %dma_wait3A_992 = tpu.memref_slice %arg6[%dma_wait3A_987, %dma_wait3A_988, %dma_wait3A_990, %dma_wait3A_991] : memref<2x5x64x128xf32, #tpu.memory_space<vmem>> -> memref<1x1x64x128xf32, #tpu.memory_space<vmem>>
        %dma_wait3A_993 = tpu.memref_squeeze %dma_wait3A_992 : memref<1x1x64x128xf32, #tpu.memory_space<vmem>> -> memref<64x128xf32, #tpu.memory_space<vmem>>
        %dma_wait3A_994 = arith.constant 0 : i32
        %dma_wait3A_995 = tpu.memref_slice %arg4[%dma_wait3A_989, %mul3A_2, %dma_wait3A_994] : memref<50x4096x128xf32, #tpu.memory_space<hbm>> -> memref<1x64x128xf32, #tpu.memory_space<hbm>>
        %dma_wait3A_996 = tpu.memref_squeeze %dma_wait3A_995 : memref<1x64x128xf32, #tpu.memory_space<hbm>> -> memref<64x128xf32, #tpu.memory_space<hbm>>
        %dma_wait3A_997 = arith.constant 0 : i32
        %dma_wait3A_998 = tpu.memref_slice %arg4[%dma_wait3A_989, %mul3A_2, %dma_wait3A_997] : memref<50x4096x128xf32, #tpu.memory_space<hbm>> -> memref<1x64x128xf32, #tpu.memory_space<hbm>>
        %dma_wait3A_999 = tpu.memref_squeeze %dma_wait3A_998 : memref<1x64x128xf32, #tpu.memory_space<hbm>> -> memref<64x128xf32, #tpu.memory_space<hbm>>
        %dma_wait3A_1000 = arith.constant 0 : i32
        %dma_wait3A_1001 = arith.constant 0 : i32
        %dma_wait3A_1002 = tpu.memref_slice %arg6[%dma_wait3A_987, %dma_wait3A_988, %dma_wait3A_1000, %dma_wait3A_1001] : memref<2x5x64x128xf32, #tpu.memory_space<vmem>> -> memref<1x1x64x128xf32, #tpu.memory_space<vmem>>
        %dma_wait3A_1003 = tpu.memref_squeeze %dma_wait3A_1002 : memref<1x1x64x128xf32, #tpu.memory_space<vmem>> -> memref<64x128xf32, #tpu.memory_space<vmem>>
        tpu.wait_dma2 semaphore(%arg9 : memref<!tpu.dma_semaphore, #tpu.memory_space<semaphore_mem>>) src(%dma_wait3A_1003 : memref<64x128xf32, #tpu.memory_space<vmem>>) dst(%dma_wait3A_999 : memref<64x128xf32, #tpu.memory_space<hbm>>)
        %dma_wait3A_1004 = arith.constant 1 : i32
        %dma_wait3A_1005 = arith.constant 4 : i32
        %dma_wait3A_1006 = arith.constant 0 : i32
        %dma_wait3A_1007 = arith.constant 0 : i32
        %dma_wait3A_1008 = arith.constant 0 : i32
        %dma_wait3A_1009 = tpu.memref_slice %arg6[%dma_wait3A_1004, %dma_wait3A_1005, %dma_wait3A_1007, %dma_wait3A_1008] : memref<2x5x64x128xf32, #tpu.memory_space<vmem>> -> memref<1x1x64x128xf32, #tpu.memory_space<vmem>>
        %dma_wait3A_1010 = tpu.memref_squeeze %dma_wait3A_1009 : memref<1x1x64x128xf32, #tpu.memory_space<vmem>> -> memref<64x128xf32, #tpu.memory_space<vmem>>
        %dma_wait3A_1011 = arith.constant 0 : i32
        %dma_wait3A_1012 = tpu.memref_slice %arg4[%dma_wait3A_1006, %mul3A_2, %dma_wait3A_1011] : memref<50x4096x128xf32, #tpu.memory_space<hbm>> -> memref<1x64x128xf32, #tpu.memory_space<hbm>>
        %dma_wait3A_1013 = tpu.memref_squeeze %dma_wait3A_1012 : memref<1x64x128xf32, #tpu.memory_space<hbm>> -> memref<64x128xf32, #tpu.memory_space<hbm>>
        %dma_wait3A_1014 = arith.constant 0 : i32
        %dma_wait3A_1015 = tpu.memref_slice %arg4[%dma_wait3A_1006, %mul3A_2, %dma_wait3A_1014] : memref<50x4096x128xf32, #tpu.memory_space<hbm>> -> memref<1x64x128xf32, #tpu.memory_space<hbm>>
        %dma_wait3A_1016 = tpu.memref_squeeze %dma_wait3A_1015 : memref<1x64x128xf32, #tpu.memory_space<hbm>> -> memref<64x128xf32, #tpu.memory_space<hbm>>
        %dma_wait3A_1017 = arith.constant 0 : i32
        %dma_wait3A_1018 = arith.constant 0 : i32
        %dma_wait3A_1019 = tpu.memref_slice %arg6[%dma_wait3A_1004, %dma_wait3A_1005, %dma_wait3A_1017, %dma_wait3A_1018] : memref<2x5x64x128xf32, #tpu.memory_space<vmem>> -> memref<1x1x64x128xf32, #tpu.memory_space<vmem>>
        %dma_wait3A_1020 = tpu.memref_squeeze %dma_wait3A_1019 : memref<1x1x64x128xf32, #tpu.memory_space<vmem>> -> memref<64x128xf32, #tpu.memory_space<vmem>>
        tpu.wait_dma2 semaphore(%arg9 : memref<!tpu.dma_semaphore, #tpu.memory_space<semaphore_mem>>) src(%dma_wait3A_1020 : memref<64x128xf32, #tpu.memory_space<vmem>>) dst(%dma_wait3A_1016 : memref<64x128xf32, #tpu.memory_space<hbm>>)
      } else {
      }
      %add3A_533 = arith.constant 1 : i32
      %add3A_534 = arith.addi %add3A_160, %add3A_533 : i32
      %lt3A_535 = arith.constant 20 : i32
      %lt3A_536 = arith.cmpi slt, %add3A_534, %lt3A_535 : i32
      %convert_element_type3A_537 = arith.extui %lt3A_536 : i1 to i32
      %cond3A_538 = arith.constant 0 : i32
      %cond3A_539 = arith.cmpi ne, %convert_element_type3A_537, %cond3A_538 : i32
      scf.if %cond3A_539 {
        %add3A_936 = arith.constant 1 : i32
        %add3A_937 = arith.addi %add3A_160, %add3A_936 : i32
        %mul3A_938 = arith.constant 5 : i32
        %mul3A_939 = arith.muli %add3A_937, %mul3A_938 : i32
        %add3A_940 = arith.constant 0 : i32
        %add3A_941 = arith.addi %mul3A_939, %add3A_940 : i32
        %jit3A_942 = arith.constant 2 : i32
        %div3A_943 = arith.divsi %add3A_941, %jit3A_942 : i32
        %sign3A_944 = arith.constant 0 : i32
        %sign3A_945 = arith.cmpi sgt, %add3A_941, %sign3A_944 : i32
        %sign3A_946 = arith.extui %sign3A_945 : i1 to i32
        %sign3A_947 = arith.constant 0 : i32
        %sign3A_948 = arith.cmpi slt, %add3A_941, %sign3A_947 : i32
        %sign3A_949 = arith.extui %sign3A_948 : i1 to i32
        %sign3A_950 = arith.subi %sign3A_946, %sign3A_949 : i32
        %sign3A_951 = arith.constant 0 : i32
        %sign3A_952 = arith.cmpi sgt, %jit3A_942, %sign3A_951 : i32
        %sign3A_953 = arith.extui %sign3A_952 : i1 to i32
        %sign3A_954 = arith.constant 0 : i32
        %sign3A_955 = arith.cmpi slt, %jit3A_942, %sign3A_954 : i32
        %sign3A_956 = arith.extui %sign3A_955 : i1 to i32
        %sign3A_957 = arith.subi %sign3A_953, %sign3A_956 : i32
        %ne3A_958 = arith.cmpi ne, %sign3A_950, %sign3A_957 : i32
        %rem3A_959 = arith.remsi %add3A_941, %jit3A_942 : i32
        %ne3A_960 = arith.constant 0 : i32
        %ne3A_961 = arith.cmpi ne, %rem3A_959, %ne3A_960 : i32
        %and3A_962 = arith.andi %ne3A_958, %ne3A_961 : i1
        %sub3A_963 = arith.constant 1 : i32
        %sub3A_964 = arith.subi %div3A_943, %sub3A_963 : i32
        %select_n3A_965 = arith.select %and3A_962, %sub3A_964, %div3A_943 : i32
        %jit3A_966 = arith.constant 2 : i32
        %eq3A_967 = arith.constant 0 : i32
        %eq3A_968 = arith.cmpi eq, %jit3A_966, %eq3A_967 : i32
        %jit3A_969 = arith.constant 1 : i32
        %select_n3A_970 = arith.select %eq3A_968, %jit3A_969, %jit3A_966 : i32
        %rem3A_971 = arith.remsi %add3A_941, %select_n3A_970 : i32
        %ne3A_972 = arith.constant 0 : i32
        %ne3A_973 = arith.cmpi ne, %rem3A_971, %ne3A_972 : i32
        %lt3A_974 = arith.constant 0 : i32
        %lt3A_975 = arith.cmpi slt, %rem3A_971, %lt3A_974 : i32
        %lt3A_976 = arith.constant 0 : i32
        %lt3A_977 = arith.cmpi slt, %select_n3A_970, %lt3A_976 : i32
        %ne3A_978 = arith.xori %lt3A_975, %lt3A_977 : i1
        %and3A_979 = arith.andi %ne3A_978, %ne3A_973 : i1
        %add3A_980 = arith.addi %rem3A_971, %select_n3A_970 : i32
        %select_n3A_981 = arith.select %and3A_979, %add3A_980, %rem3A_971 : i32
        %mul3A_982 = arith.constant 64 : i32
        %mul3A_983 = arith.muli %select_n3A_981, %mul3A_982 : i32
        %dma_start3A_984 = arith.constant 1 : i32
        %dma_start3A_985 = arith.constant 0 : i32
        %dma_start3A_986 = arith.constant 0 : i32
        %dma_start3A_987 = arith.constant 0 : i32
        %dma_start3A_988 = tpu.memref_slice %arg6[%dma_start3A_984, %dma_start3A_985, %dma_start3A_986, %dma_start3A_987] : memref<2x5x64x128xf32, #tpu.memory_space<vmem>> -> memref<1x1x64x128xf32, #tpu.memory_space<vmem>>
        %dma_start3A_989 = tpu.memref_squeeze %dma_start3A_988 : memref<1x1x64x128xf32, #tpu.memory_space<vmem>> -> memref<64x128xf32, #tpu.memory_space<vmem>>
        %dma_start3A_990 = tpu.memref_slice %arg5[%select_n3A_965, %mul3A_983] : memref<50x128xi32, #tpu.memory_space<vmem>> -> memref<1x64xi32, #tpu.memory_space<vmem>>
        %dma_start3A_991 = tpu.memref_squeeze %dma_start3A_990 : memref<1x64xi32, #tpu.memory_space<vmem>> -> memref<64xi32, #tpu.memory_space<vmem>>
        %dma_start3A_992 = arith.constant 0 : i32
        %dma_start3A_993 = arith.constant 0 : i32
        %dma_start3A_994 = tpu.memref_slice %arg2[%dma_start3A_992, %dma_start3A_993] : memref<10000x128xf32, #tpu.memory_space<hbm>> -> memref<10000x128xf32, #tpu.memory_space<hbm>>
        tpu.enqueue_indirect_dma source(%dma_start3A_994 : memref<10000x128xf32, #tpu.memory_space<hbm>>) target(%dma_start3A_989 : memref<64x128xf32, #tpu.memory_space<vmem>>) offsets(%dma_start3A_991 : memref<64xi32, #tpu.memory_space<vmem>>) semaphore(%arg7 : memref<!tpu.dma_semaphore, #tpu.memory_space<semaphore_mem>>)
        %mul3A_995 = arith.constant 5 : i32
        %mul3A_996 = arith.muli %add3A_937, %mul3A_995 : i32
        %add3A_997 = arith.constant 1 : i32
        %add3A_998 = arith.addi %mul3A_996, %add3A_997 : i32
        %jit3A_999 = arith.constant 2 : i32
        %div3A_1000 = arith.divsi %add3A_998, %jit3A_999 : i32
        %sign3A_1001 = arith.constant 0 : i32
        %sign3A_1002 = arith.cmpi sgt, %add3A_998, %sign3A_1001 : i32
        %sign3A_1003 = arith.extui %sign3A_1002 : i1 to i32
        %sign3A_1004 = arith.constant 0 : i32
        %sign3A_1005 = arith.cmpi slt, %add3A_998, %sign3A_1004 : i32
        %sign3A_1006 = arith.extui %sign3A_1005 : i1 to i32
        %sign3A_1007 = arith.subi %sign3A_1003, %sign3A_1006 : i32
        %sign3A_1008 = arith.constant 0 : i32
        %sign3A_1009 = arith.cmpi sgt, %jit3A_999, %sign3A_1008 : i32
        %sign3A_1010 = arith.extui %sign3A_1009 : i1 to i32
        %sign3A_1011 = arith.constant 0 : i32
        %sign3A_1012 = arith.cmpi slt, %jit3A_999, %sign3A_1011 : i32
        %sign3A_1013 = arith.extui %sign3A_1012 : i1 to i32
        %sign3A_1014 = arith.subi %sign3A_1010, %sign3A_1013 : i32
        %ne3A_1015 = arith.cmpi ne, %sign3A_1007, %sign3A_1014 : i32
        %rem3A_1016 = arith.remsi %add3A_998, %jit3A_999 : i32
        %ne3A_1017 = arith.constant 0 : i32
        %ne3A_1018 = arith.cmpi ne, %rem3A_1016, %ne3A_1017 : i32
        %and3A_1019 = arith.andi %ne3A_1015, %ne3A_1018 : i1
        %sub3A_1020 = arith.constant 1 : i32
        %sub3A_1021 = arith.subi %div3A_1000, %sub3A_1020 : i32
        %select_n3A_1022 = arith.select %and3A_1019, %sub3A_1021, %div3A_1000 : i32
        %jit3A_1023 = arith.constant 2 : i32
        %eq3A_1024 = arith.constant 0 : i32
        %eq3A_1025 = arith.cmpi eq, %jit3A_1023, %eq3A_1024 : i32
        %jit3A_1026 = arith.constant 1 : i32
        %select_n3A_1027 = arith.select %eq3A_1025, %jit3A_1026, %jit3A_1023 : i32
        %rem3A_1028 = arith.remsi %add3A_998, %select_n3A_1027 : i32
        %ne3A_1029 = arith.constant 0 : i32
        %ne3A_1030 = arith.cmpi ne, %rem3A_1028, %ne3A_1029 : i32
        %lt3A_1031 = arith.constant 0 : i32
        %lt3A_1032 = arith.cmpi slt, %rem3A_1028, %lt3A_1031 : i32
        %lt3A_1033 = arith.constant 0 : i32
        %lt3A_1034 = arith.cmpi slt, %select_n3A_1027, %lt3A_1033 : i32
        %ne3A_1035 = arith.xori %lt3A_1032, %lt3A_1034 : i1
        %and3A_1036 = arith.andi %ne3A_1035, %ne3A_1030 : i1
        %add3A_1037 = arith.addi %rem3A_1028, %select_n3A_1027 : i32
        %select_n3A_1038 = arith.select %and3A_1036, %add3A_1037, %rem3A_1028 : i32
        %mul3A_1039 = arith.constant 64 : i32
        %mul3A_1040 = arith.muli %select_n3A_1038, %mul3A_1039 : i32
        %dma_start3A_1041 = arith.constant 1 : i32
        %dma_start3A_1042 = arith.constant 1 : i32
        %dma_start3A_1043 = arith.constant 0 : i32
        %dma_start3A_1044 = arith.constant 0 : i32
        %dma_start3A_1045 = tpu.memref_slice %arg6[%dma_start3A_1041, %dma_start3A_1042, %dma_start3A_1043, %dma_start3A_1044] : memref<2x5x64x128xf32, #tpu.memory_space<vmem>> -> memref<1x1x64x128xf32, #tpu.memory_space<vmem>>
        %dma_start3A_1046 = tpu.memref_squeeze %dma_start3A_1045 : memref<1x1x64x128xf32, #tpu.memory_space<vmem>> -> memref<64x128xf32, #tpu.memory_space<vmem>>
        %dma_start3A_1047 = tpu.memref_slice %arg5[%select_n3A_1022, %mul3A_1040] : memref<50x128xi32, #tpu.memory_space<vmem>> -> memref<1x64xi32, #tpu.memory_space<vmem>>
        %dma_start3A_1048 = tpu.memref_squeeze %dma_start3A_1047 : memref<1x64xi32, #tpu.memory_space<vmem>> -> memref<64xi32, #tpu.memory_space<vmem>>
        %dma_start3A_1049 = arith.constant 0 : i32
        %dma_start3A_1050 = arith.constant 0 : i32
        %dma_start3A_1051 = tpu.memref_slice %arg2[%dma_start3A_1049, %dma_start3A_1050] : memref<10000x128xf32, #tpu.memory_space<hbm>> -> memref<10000x128xf32, #tpu.memory_space<hbm>>
        tpu.enqueue_indirect_dma source(%dma_start3A_1051 : memref<10000x128xf32, #tpu.memory_space<hbm>>) target(%dma_start3A_1046 : memref<64x128xf32, #tpu.memory_space<vmem>>) offsets(%dma_start3A_1048 : memref<64xi32, #tpu.memory_space<vmem>>) semaphore(%arg7 : memref<!tpu.dma_semaphore, #tpu.memory_space<semaphore_mem>>)
        %mul3A_1052 = arith.constant 5 : i32
        %mul3A_1053 = arith.muli %add3A_937, %mul3A_1052 : i32
        %add3A_1054 = arith.constant 2 : i32
        %add3A_1055 = arith.addi %mul3A_1053, %add3A_1054 : i32
        %jit3A_1056 = arith.constant 2 : i32
        %div3A_1057 = arith.divsi %add3A_1055, %jit3A_1056 : i32
        %sign3A_1058 = arith.constant 0 : i32
        %sign3A_1059 = arith.cmpi sgt, %add3A_1055, %sign3A_1058 : i32
        %sign3A_1060 = arith.extui %sign3A_1059 : i1 to i32
        %sign3A_1061 = arith.constant 0 : i32
        %sign3A_1062 = arith.cmpi slt, %add3A_1055, %sign3A_1061 : i32
        %sign3A_1063 = arith.extui %sign3A_1062 : i1 to i32
        %sign3A_1064 = arith.subi %sign3A_1060, %sign3A_1063 : i32
        %sign3A_1065 = arith.constant 0 : i32
        %sign3A_1066 = arith.cmpi sgt, %jit3A_1056, %sign3A_1065 : i32
        %sign3A_1067 = arith.extui %sign3A_1066 : i1 to i32
        %sign3A_1068 = arith.constant 0 : i32
        %sign3A_1069 = arith.cmpi slt, %jit3A_1056, %sign3A_1068 : i32
        %sign3A_1070 = arith.extui %sign3A_1069 : i1 to i32
        %sign3A_1071 = arith.subi %sign3A_1067, %sign3A_1070 : i32
        %ne3A_1072 = arith.cmpi ne, %sign3A_1064, %sign3A_1071 : i32
        %rem3A_1073 = arith.remsi %add3A_1055, %jit3A_1056 : i32
        %ne3A_1074 = arith.constant 0 : i32
        %ne3A_1075 = arith.cmpi ne, %rem3A_1073, %ne3A_1074 : i32
        %and3A_1076 = arith.andi %ne3A_1072, %ne3A_1075 : i1
        %sub3A_1077 = arith.constant 1 : i32
        %sub3A_1078 = arith.subi %div3A_1057, %sub3A_1077 : i32
        %select_n3A_1079 = arith.select %and3A_1076, %sub3A_1078, %div3A_1057 : i32
        %jit3A_1080 = arith.constant 2 : i32
        %eq3A_1081 = arith.constant 0 : i32
        %eq3A_1082 = arith.cmpi eq, %jit3A_1080, %eq3A_1081 : i32
        %jit3A_1083 = arith.constant 1 : i32
        %select_n3A_1084 = arith.select %eq3A_1082, %jit3A_1083, %jit3A_1080 : i32
        %rem3A_1085 = arith.remsi %add3A_1055, %select_n3A_1084 : i32
        %ne3A_1086 = arith.constant 0 : i32
        %ne3A_1087 = arith.cmpi ne, %rem3A_1085, %ne3A_1086 : i32
        %lt3A_1088 = arith.constant 0 : i32
        %lt3A_1089 = arith.cmpi slt, %rem3A_1085, %lt3A_1088 : i32
        %lt3A_1090 = arith.constant 0 : i32
        %lt3A_1091 = arith.cmpi slt, %select_n3A_1084, %lt3A_1090 : i32
        %ne3A_1092 = arith.xori %lt3A_1089, %lt3A_1091 : i1
        %and3A_1093 = arith.andi %ne3A_1092, %ne3A_1087 : i1
        %add3A_1094 = arith.addi %rem3A_1085, %select_n3A_1084 : i32
        %select_n3A_1095 = arith.select %and3A_1093, %add3A_1094, %rem3A_1085 : i32
        %mul3A_1096 = arith.constant 64 : i32
        %mul3A_1097 = arith.muli %select_n3A_1095, %mul3A_1096 : i32
        %dma_start3A_1098 = arith.constant 1 : i32
        %dma_start3A_1099 = arith.constant 2 : i32
        %dma_start3A_1100 = arith.constant 0 : i32
        %dma_start3A_1101 = arith.constant 0 : i32
        %dma_start3A_1102 = tpu.memref_slice %arg6[%dma_start3A_1098, %dma_start3A_1099, %dma_start3A_1100, %dma_start3A_1101] : memref<2x5x64x128xf32, #tpu.memory_space<vmem>> -> memref<1x1x64x128xf32, #tpu.memory_space<vmem>>
        %dma_start3A_1103 = tpu.memref_squeeze %dma_start3A_1102 : memref<1x1x64x128xf32, #tpu.memory_space<vmem>> -> memref<64x128xf32, #tpu.memory_space<vmem>>
        %dma_start3A_1104 = tpu.memref_slice %arg5[%select_n3A_1079, %mul3A_1097] : memref<50x128xi32, #tpu.memory_space<vmem>> -> memref<1x64xi32, #tpu.memory_space<vmem>>
        %dma_start3A_1105 = tpu.memref_squeeze %dma_start3A_1104 : memref<1x64xi32, #tpu.memory_space<vmem>> -> memref<64xi32, #tpu.memory_space<vmem>>
        %dma_start3A_1106 = arith.constant 0 : i32
        %dma_start3A_1107 = arith.constant 0 : i32
        %dma_start3A_1108 = tpu.memref_slice %arg2[%dma_start3A_1106, %dma_start3A_1107] : memref<10000x128xf32, #tpu.memory_space<hbm>> -> memref<10000x128xf32, #tpu.memory_space<hbm>>
        tpu.enqueue_indirect_dma source(%dma_start3A_1108 : memref<10000x128xf32, #tpu.memory_space<hbm>>) target(%dma_start3A_1103 : memref<64x128xf32, #tpu.memory_space<vmem>>) offsets(%dma_start3A_1105 : memref<64xi32, #tpu.memory_space<vmem>>) semaphore(%arg7 : memref<!tpu.dma_semaphore, #tpu.memory_space<semaphore_mem>>)
        %mul3A_1109 = arith.constant 5 : i32
        %mul3A_1110 = arith.muli %add3A_937, %mul3A_1109 : i32
        %add3A_1111 = arith.constant 3 : i32
        %add3A_1112 = arith.addi %mul3A_1110, %add3A_1111 : i32
        %jit3A_1113 = arith.constant 2 : i32
        %div3A_1114 = arith.divsi %add3A_1112, %jit3A_1113 : i32
        %sign3A_1115 = arith.constant 0 : i32
        %sign3A_1116 = arith.cmpi sgt, %add3A_1112, %sign3A_1115 : i32
        %sign3A_1117 = arith.extui %sign3A_1116 : i1 to i32
        %sign3A_1118 = arith.constant 0 : i32
        %sign3A_1119 = arith.cmpi slt, %add3A_1112, %sign3A_1118 : i32
        %sign3A_1120 = arith.extui %sign3A_1119 : i1 to i32
        %sign3A_1121 = arith.subi %sign3A_1117, %sign3A_1120 : i32
        %sign3A_1122 = arith.constant 0 : i32
        %sign3A_1123 = arith.cmpi sgt, %jit3A_1113, %sign3A_1122 : i32
        %sign3A_1124 = arith.extui %sign3A_1123 : i1 to i32
        %sign3A_1125 = arith.constant 0 : i32
        %sign3A_1126 = arith.cmpi slt, %jit3A_1113, %sign3A_1125 : i32
        %sign3A_1127 = arith.extui %sign3A_1126 : i1 to i32
        %sign3A_1128 = arith.subi %sign3A_1124, %sign3A_1127 : i32
        %ne3A_1129 = arith.cmpi ne, %sign3A_1121, %sign3A_1128 : i32
        %rem3A_1130 = arith.remsi %add3A_1112, %jit3A_1113 : i32
        %ne3A_1131 = arith.constant 0 : i32
        %ne3A_1132 = arith.cmpi ne, %rem3A_1130, %ne3A_1131 : i32
        %and3A_1133 = arith.andi %ne3A_1129, %ne3A_1132 : i1
        %sub3A_1134 = arith.constant 1 : i32
        %sub3A_1135 = arith.subi %div3A_1114, %sub3A_1134 : i32
        %select_n3A_1136 = arith.select %and3A_1133, %sub3A_1135, %div3A_1114 : i32
        %jit3A_1137 = arith.constant 2 : i32
        %eq3A_1138 = arith.constant 0 : i32
        %eq3A_1139 = arith.cmpi eq, %jit3A_1137, %eq3A_1138 : i32
        %jit3A_1140 = arith.constant 1 : i32
        %select_n3A_1141 = arith.select %eq3A_1139, %jit3A_1140, %jit3A_1137 : i32
        %rem3A_1142 = arith.remsi %add3A_1112, %select_n3A_1141 : i32
        %ne3A_1143 = arith.constant 0 : i32
        %ne3A_1144 = arith.cmpi ne, %rem3A_1142, %ne3A_1143 : i32
        %lt3A_1145 = arith.constant 0 : i32
        %lt3A_1146 = arith.cmpi slt, %rem3A_1142, %lt3A_1145 : i32
        %lt3A_1147 = arith.constant 0 : i32
        %lt3A_1148 = arith.cmpi slt, %select_n3A_1141, %lt3A_1147 : i32
        %ne3A_1149 = arith.xori %lt3A_1146, %lt3A_1148 : i1
        %and3A_1150 = arith.andi %ne3A_1149, %ne3A_1144 : i1
        %add3A_1151 = arith.addi %rem3A_1142, %select_n3A_1141 : i32
        %select_n3A_1152 = arith.select %and3A_1150, %add3A_1151, %rem3A_1142 : i32
        %mul3A_1153 = arith.constant 64 : i32
        %mul3A_1154 = arith.muli %select_n3A_1152, %mul3A_1153 : i32
        %dma_start3A_1155 = arith.constant 1 : i32
        %dma_start3A_1156 = arith.constant 3 : i32
        %dma_start3A_1157 = arith.constant 0 : i32
        %dma_start3A_1158 = arith.constant 0 : i32
        %dma_start3A_1159 = tpu.memref_slice %arg6[%dma_start3A_1155, %dma_start3A_1156, %dma_start3A_1157, %dma_start3A_1158] : memref<2x5x64x128xf32, #tpu.memory_space<vmem>> -> memref<1x1x64x128xf32, #tpu.memory_space<vmem>>
        %dma_start3A_1160 = tpu.memref_squeeze %dma_start3A_1159 : memref<1x1x64x128xf32, #tpu.memory_space<vmem>> -> memref<64x128xf32, #tpu.memory_space<vmem>>
        %dma_start3A_1161 = tpu.memref_slice %arg5[%select_n3A_1136, %mul3A_1154] : memref<50x128xi32, #tpu.memory_space<vmem>> -> memref<1x64xi32, #tpu.memory_space<vmem>>
        %dma_start3A_1162 = tpu.memref_squeeze %dma_start3A_1161 : memref<1x64xi32, #tpu.memory_space<vmem>> -> memref<64xi32, #tpu.memory_space<vmem>>
        %dma_start3A_1163 = arith.constant 0 : i32
        %dma_start3A_1164 = arith.constant 0 : i32
        %dma_start3A_1165 = tpu.memref_slice %arg2[%dma_start3A_1163, %dma_start3A_1164] : memref<10000x128xf32, #tpu.memory_space<hbm>> -> memref<10000x128xf32, #tpu.memory_space<hbm>>
        tpu.enqueue_indirect_dma source(%dma_start3A_1165 : memref<10000x128xf32, #tpu.memory_space<hbm>>) target(%dma_start3A_1160 : memref<64x128xf32, #tpu.memory_space<vmem>>) offsets(%dma_start3A_1162 : memref<64xi32, #tpu.memory_space<vmem>>) semaphore(%arg7 : memref<!tpu.dma_semaphore, #tpu.memory_space<semaphore_mem>>)
        %mul3A_1166 = arith.constant 5 : i32
        %mul3A_1167 = arith.muli %add3A_937, %mul3A_1166 : i32
        %add3A_1168 = arith.constant 4 : i32
        %add3A_1169 = arith.addi %mul3A_1167, %add3A_1168 : i32
        %jit3A_1170 = arith.constant 2 : i32
        %div3A_1171 = arith.divsi %add3A_1169, %jit3A_1170 : i32
        %sign3A_1172 = arith.constant 0 : i32
        %sign3A_1173 = arith.cmpi sgt, %add3A_1169, %sign3A_1172 : i32
        %sign3A_1174 = arith.extui %sign3A_1173 : i1 to i32
        %sign3A_1175 = arith.constant 0 : i32
        %sign3A_1176 = arith.cmpi slt, %add3A_1169, %sign3A_1175 : i32
        %sign3A_1177 = arith.extui %sign3A_1176 : i1 to i32
        %sign3A_1178 = arith.subi %sign3A_1174, %sign3A_1177 : i32
        %sign3A_1179 = arith.constant 0 : i32
        %sign3A_1180 = arith.cmpi sgt, %jit3A_1170, %sign3A_1179 : i32
        %sign3A_1181 = arith.extui %sign3A_1180 : i1 to i32
        %sign3A_1182 = arith.constant 0 : i32
        %sign3A_1183 = arith.cmpi slt, %jit3A_1170, %sign3A_1182 : i32
        %sign3A_1184 = arith.extui %sign3A_1183 : i1 to i32
        %sign3A_1185 = arith.subi %sign3A_1181, %sign3A_1184 : i32
        %ne3A_1186 = arith.cmpi ne, %sign3A_1178, %sign3A_1185 : i32
        %rem3A_1187 = arith.remsi %add3A_1169, %jit3A_1170 : i32
        %ne3A_1188 = arith.constant 0 : i32
        %ne3A_1189 = arith.cmpi ne, %rem3A_1187, %ne3A_1188 : i32
        %and3A_1190 = arith.andi %ne3A_1186, %ne3A_1189 : i1
        %sub3A_1191 = arith.constant 1 : i32
        %sub3A_1192 = arith.subi %div3A_1171, %sub3A_1191 : i32
        %select_n3A_1193 = arith.select %and3A_1190, %sub3A_1192, %div3A_1171 : i32
        %jit3A_1194 = arith.constant 2 : i32
        %eq3A_1195 = arith.constant 0 : i32
        %eq3A_1196 = arith.cmpi eq, %jit3A_1194, %eq3A_1195 : i32
        %jit3A_1197 = arith.constant 1 : i32
        %select_n3A_1198 = arith.select %eq3A_1196, %jit3A_1197, %jit3A_1194 : i32
        %rem3A_1199 = arith.remsi %add3A_1169, %select_n3A_1198 : i32
        %ne3A_1200 = arith.constant 0 : i32
        %ne3A_1201 = arith.cmpi ne, %rem3A_1199, %ne3A_1200 : i32
        %lt3A_1202 = arith.constant 0 : i32
        %lt3A_1203 = arith.cmpi slt, %rem3A_1199, %lt3A_1202 : i32
        %lt3A_1204 = arith.constant 0 : i32
        %lt3A_1205 = arith.cmpi slt, %select_n3A_1198, %lt3A_1204 : i32
        %ne3A_1206 = arith.xori %lt3A_1203, %lt3A_1205 : i1
        %and3A_1207 = arith.andi %ne3A_1206, %ne3A_1201 : i1
        %add3A_1208 = arith.addi %rem3A_1199, %select_n3A_1198 : i32
        %select_n3A_1209 = arith.select %and3A_1207, %add3A_1208, %rem3A_1199 : i32
        %mul3A_1210 = arith.constant 64 : i32
        %mul3A_1211 = arith.muli %select_n3A_1209, %mul3A_1210 : i32
        %dma_start3A_1212 = arith.constant 1 : i32
        %dma_start3A_1213 = arith.constant 4 : i32
        %dma_start3A_1214 = arith.constant 0 : i32
        %dma_start3A_1215 = arith.constant 0 : i32
        %dma_start3A_1216 = tpu.memref_slice %arg6[%dma_start3A_1212, %dma_start3A_1213, %dma_start3A_1214, %dma_start3A_1215] : memref<2x5x64x128xf32, #tpu.memory_space<vmem>> -> memref<1x1x64x128xf32, #tpu.memory_space<vmem>>
        %dma_start3A_1217 = tpu.memref_squeeze %dma_start3A_1216 : memref<1x1x64x128xf32, #tpu.memory_space<vmem>> -> memref<64x128xf32, #tpu.memory_space<vmem>>
        %dma_start3A_1218 = tpu.memref_slice %arg5[%select_n3A_1193, %mul3A_1211] : memref<50x128xi32, #tpu.memory_space<vmem>> -> memref<1x64xi32, #tpu.memory_space<vmem>>
        %dma_start3A_1219 = tpu.memref_squeeze %dma_start3A_1218 : memref<1x64xi32, #tpu.memory_space<vmem>> -> memref<64xi32, #tpu.memory_space<vmem>>
        %dma_start3A_1220 = arith.constant 0 : i32
        %dma_start3A_1221 = arith.constant 0 : i32
        %dma_start3A_1222 = tpu.memref_slice %arg2[%dma_start3A_1220, %dma_start3A_1221] : memref<10000x128xf32, #tpu.memory_space<hbm>> -> memref<10000x128xf32, #tpu.memory_space<hbm>>
        tpu.enqueue_indirect_dma source(%dma_start3A_1222 : memref<10000x128xf32, #tpu.memory_space<hbm>>) target(%dma_start3A_1217 : memref<64x128xf32, #tpu.memory_space<vmem>>) offsets(%dma_start3A_1219 : memref<64xi32, #tpu.memory_space<vmem>>) semaphore(%arg7 : memref<!tpu.dma_semaphore, #tpu.memory_space<semaphore_mem>>)
      } else {
      }
      %mul3A_540 = arith.constant 2 : i32
      %mul3A_541 = arith.muli %mul3A_540, %scan3A_156 : i32
      %add3A_542 = arith.constant 1 : i32
      %add3A_543 = arith.addi %mul3A_541, %add3A_542 : i32
      %dma_wait3A_544 = arith.constant 0 : i32
      %dma_wait3A_545 = arith.constant 1 : i32
      %dma_wait3A_546 = arith.constant 0 : i32
      %dma_wait3A_547 = arith.constant 0 : i32
      %dma_wait3A_548 = arith.constant 0 : i32
      %dma_wait3A_549 = tpu.memref_slice %arg6[%dma_wait3A_545, %dma_wait3A_546, %dma_wait3A_547, %dma_wait3A_548] : memref<2x5x64x128xf32, #tpu.memory_space<vmem>> -> memref<1x1x64x128xf32, #tpu.memory_space<vmem>>
      %dma_wait3A_550 = tpu.memref_squeeze %dma_wait3A_549 : memref<1x1x64x128xf32, #tpu.memory_space<vmem>> -> memref<64x128xf32, #tpu.memory_space<vmem>>
      %dma_wait3A_551 = arith.constant 0 : i32
      %dma_wait3A_552 = tpu.memref_slice %arg5[%dma_wait3A_544, %dma_wait3A_551] : memref<50x128xi32, #tpu.memory_space<vmem>> -> memref<1x64xi32, #tpu.memory_space<vmem>>
      %dma_wait3A_553 = tpu.memref_squeeze %dma_wait3A_552 : memref<1x64xi32, #tpu.memory_space<vmem>> -> memref<64xi32, #tpu.memory_space<vmem>>
      %dma_wait3A_554 = arith.constant 0 : i32
      %dma_wait3A_555 = arith.constant 0 : i32
      %dma_wait3A_556 = tpu.memref_slice %arg2[%dma_wait3A_554, %dma_wait3A_555] : memref<10000x128xf32, #tpu.memory_space<hbm>> -> memref<10000x128xf32, #tpu.memory_space<hbm>>
      tpu.wait_indirect_dma semaphore(%arg7 : memref<!tpu.dma_semaphore, #tpu.memory_space<semaphore_mem>>) src(%dma_wait3A_556 : memref<10000x128xf32, #tpu.memory_space<hbm>>) dst(%dma_wait3A_550 : memref<64x128xf32, #tpu.memory_space<vmem>>)
      %dma_wait3A_557 = arith.constant 0 : i32
      %dma_wait3A_558 = arith.constant 1 : i32
      %dma_wait3A_559 = arith.constant 1 : i32
      %dma_wait3A_560 = arith.constant 0 : i32
      %dma_wait3A_561 = arith.constant 0 : i32
      %dma_wait3A_562 = tpu.memref_slice %arg6[%dma_wait3A_558, %dma_wait3A_559, %dma_wait3A_560, %dma_wait3A_561] : memref<2x5x64x128xf32, #tpu.memory_space<vmem>> -> memref<1x1x64x128xf32, #tpu.memory_space<vmem>>
      %dma_wait3A_563 = tpu.memref_squeeze %dma_wait3A_562 : memref<1x1x64x128xf32, #tpu.memory_space<vmem>> -> memref<64x128xf32, #tpu.memory_space<vmem>>
      %dma_wait3A_564 = arith.constant 0 : i32
      %dma_wait3A_565 = tpu.memref_slice %arg5[%dma_wait3A_557, %dma_wait3A_564] : memref<50x128xi32, #tpu.memory_space<vmem>> -> memref<1x64xi32, #tpu.memory_space<vmem>>
      %dma_wait3A_566 = tpu.memref_squeeze %dma_wait3A_565 : memref<1x64xi32, #tpu.memory_space<vmem>> -> memref<64xi32, #tpu.memory_space<vmem>>
      %dma_wait3A_567 = arith.constant 0 : i32
      %dma_wait3A_568 = arith.constant 0 : i32
      %dma_wait3A_569 = tpu.memref_slice %arg2[%dma_wait3A_567, %dma_wait3A_568] : memref<10000x128xf32, #tpu.memory_space<hbm>> -> memref<10000x128xf32, #tpu.memory_space<hbm>>
      tpu.wait_indirect_dma semaphore(%arg7 : memref<!tpu.dma_semaphore, #tpu.memory_space<semaphore_mem>>) src(%dma_wait3A_569 : memref<10000x128xf32, #tpu.memory_space<hbm>>) dst(%dma_wait3A_563 : memref<64x128xf32, #tpu.memory_space<vmem>>)
      %dma_wait3A_570 = arith.constant 0 : i32
      %dma_wait3A_571 = arith.constant 1 : i32
      %dma_wait3A_572 = arith.constant 2 : i32
      %dma_wait3A_573 = arith.constant 0 : i32
      %dma_wait3A_574 = arith.constant 0 : i32
      %dma_wait3A_575 = tpu.memref_slice %arg6[%dma_wait3A_571, %dma_wait3A_572, %dma_wait3A_573, %dma_wait3A_574] : memref<2x5x64x128xf32, #tpu.memory_space<vmem>> -> memref<1x1x64x128xf32, #tpu.memory_space<vmem>>
      %dma_wait3A_576 = tpu.memref_squeeze %dma_wait3A_575 : memref<1x1x64x128xf32, #tpu.memory_space<vmem>> -> memref<64x128xf32, #tpu.memory_space<vmem>>
      %dma_wait3A_577 = arith.constant 0 : i32
      %dma_wait3A_578 = tpu.memref_slice %arg5[%dma_wait3A_570, %dma_wait3A_577] : memref<50x128xi32, #tpu.memory_space<vmem>> -> memref<1x64xi32, #tpu.memory_space<vmem>>
      %dma_wait3A_579 = tpu.memref_squeeze %dma_wait3A_578 : memref<1x64xi32, #tpu.memory_space<vmem>> -> memref<64xi32, #tpu.memory_space<vmem>>
      %dma_wait3A_580 = arith.constant 0 : i32
      %dma_wait3A_581 = arith.constant 0 : i32
      %dma_wait3A_582 = tpu.memref_slice %arg2[%dma_wait3A_580, %dma_wait3A_581] : memref<10000x128xf32, #tpu.memory_space<hbm>> -> memref<10000x128xf32, #tpu.memory_space<hbm>>
      tpu.wait_indirect_dma semaphore(%arg7 : memref<!tpu.dma_semaphore, #tpu.memory_space<semaphore_mem>>) src(%dma_wait3A_582 : memref<10000x128xf32, #tpu.memory_space<hbm>>) dst(%dma_wait3A_576 : memref<64x128xf32, #tpu.memory_space<vmem>>)
      %dma_wait3A_583 = arith.constant 0 : i32
      %dma_wait3A_584 = arith.constant 1 : i32
      %dma_wait3A_585 = arith.constant 3 : i32
      %dma_wait3A_586 = arith.constant 0 : i32
      %dma_wait3A_587 = arith.constant 0 : i32
      %dma_wait3A_588 = tpu.memref_slice %arg6[%dma_wait3A_584, %dma_wait3A_585, %dma_wait3A_586, %dma_wait3A_587] : memref<2x5x64x128xf32, #tpu.memory_space<vmem>> -> memref<1x1x64x128xf32, #tpu.memory_space<vmem>>
      %dma_wait3A_589 = tpu.memref_squeeze %dma_wait3A_588 : memref<1x1x64x128xf32, #tpu.memory_space<vmem>> -> memref<64x128xf32, #tpu.memory_space<vmem>>
      %dma_wait3A_590 = arith.constant 0 : i32
      %dma_wait3A_591 = tpu.memref_slice %arg5[%dma_wait3A_583, %dma_wait3A_590] : memref<50x128xi32, #tpu.memory_space<vmem>> -> memref<1x64xi32, #tpu.memory_space<vmem>>
      %dma_wait3A_592 = tpu.memref_squeeze %dma_wait3A_591 : memref<1x64xi32, #tpu.memory_space<vmem>> -> memref<64xi32, #tpu.memory_space<vmem>>
      %dma_wait3A_593 = arith.constant 0 : i32
      %dma_wait3A_594 = arith.constant 0 : i32
      %dma_wait3A_595 = tpu.memref_slice %arg2[%dma_wait3A_593, %dma_wait3A_594] : memref<10000x128xf32, #tpu.memory_space<hbm>> -> memref<10000x128xf32, #tpu.memory_space<hbm>>
      tpu.wait_indirect_dma semaphore(%arg7 : memref<!tpu.dma_semaphore, #tpu.memory_space<semaphore_mem>>) src(%dma_wait3A_595 : memref<10000x128xf32, #tpu.memory_space<hbm>>) dst(%dma_wait3A_589 : memref<64x128xf32, #tpu.memory_space<vmem>>)
      %dma_wait3A_596 = arith.constant 0 : i32
      %dma_wait3A_597 = arith.constant 1 : i32
      %dma_wait3A_598 = arith.constant 4 : i32
      %dma_wait3A_599 = arith.constant 0 : i32
      %dma_wait3A_600 = arith.constant 0 : i32
      %dma_wait3A_601 = tpu.memref_slice %arg6[%dma_wait3A_597, %dma_wait3A_598, %dma_wait3A_599, %dma_wait3A_600] : memref<2x5x64x128xf32, #tpu.memory_space<vmem>> -> memref<1x1x64x128xf32, #tpu.memory_space<vmem>>
      %dma_wait3A_602 = tpu.memref_squeeze %dma_wait3A_601 : memref<1x1x64x128xf32, #tpu.memory_space<vmem>> -> memref<64x128xf32, #tpu.memory_space<vmem>>
      %dma_wait3A_603 = arith.constant 0 : i32
      %dma_wait3A_604 = tpu.memref_slice %arg5[%dma_wait3A_596, %dma_wait3A_603] : memref<50x128xi32, #tpu.memory_space<vmem>> -> memref<1x64xi32, #tpu.memory_space<vmem>>
      %dma_wait3A_605 = tpu.memref_squeeze %dma_wait3A_604 : memref<1x64xi32, #tpu.memory_space<vmem>> -> memref<64xi32, #tpu.memory_space<vmem>>
      %dma_wait3A_606 = arith.constant 0 : i32
      %dma_wait3A_607 = arith.constant 0 : i32
      %dma_wait3A_608 = tpu.memref_slice %arg2[%dma_wait3A_606, %dma_wait3A_607] : memref<10000x128xf32, #tpu.memory_space<hbm>> -> memref<10000x128xf32, #tpu.memory_space<hbm>>
      tpu.wait_indirect_dma semaphore(%arg7 : memref<!tpu.dma_semaphore, #tpu.memory_space<semaphore_mem>>) src(%dma_wait3A_608 : memref<10000x128xf32, #tpu.memory_space<hbm>>) dst(%dma_wait3A_602 : memref<64x128xf32, #tpu.memory_space<vmem>>)
      %mul3A_609 = arith.constant 5 : i32
      %mul3A_610 = arith.muli %add3A_543, %mul3A_609 : i32
      %add3A_611 = arith.constant 0 : i32
      %add3A_612 = arith.addi %mul3A_610, %add3A_611 : i32
      %jit3A_613 = arith.constant 2 : i32
      %div3A_614 = arith.divsi %add3A_612, %jit3A_613 : i32
      %sign3A_615 = arith.constant 0 : i32
      %sign3A_616 = arith.cmpi sgt, %add3A_612, %sign3A_615 : i32
      %sign3A_617 = arith.extui %sign3A_616 : i1 to i32
      %sign3A_618 = arith.constant 0 : i32
      %sign3A_619 = arith.cmpi slt, %add3A_612, %sign3A_618 : i32
      %sign3A_620 = arith.extui %sign3A_619 : i1 to i32
      %sign3A_621 = arith.subi %sign3A_617, %sign3A_620 : i32
      %sign3A_622 = arith.constant 0 : i32
      %sign3A_623 = arith.cmpi sgt, %jit3A_613, %sign3A_622 : i32
      %sign3A_624 = arith.extui %sign3A_623 : i1 to i32
      %sign3A_625 = arith.constant 0 : i32
      %sign3A_626 = arith.cmpi slt, %jit3A_613, %sign3A_625 : i32
      %sign3A_627 = arith.extui %sign3A_626 : i1 to i32
      %sign3A_628 = arith.subi %sign3A_624, %sign3A_627 : i32
      %ne3A_629 = arith.cmpi ne, %sign3A_621, %sign3A_628 : i32
      %rem3A_630 = arith.remsi %add3A_612, %jit3A_613 : i32
      %ne3A_631 = arith.constant 0 : i32
      %ne3A_632 = arith.cmpi ne, %rem3A_630, %ne3A_631 : i32
      %and3A_633 = arith.andi %ne3A_629, %ne3A_632 : i1
      %sub3A_634 = arith.constant 1 : i32
      %sub3A_635 = arith.subi %div3A_614, %sub3A_634 : i32
      %select_n3A_636 = arith.select %and3A_633, %sub3A_635, %div3A_614 : i32
      %jit3A_637 = arith.constant 2 : i32
      %eq3A_638 = arith.constant 0 : i32
      %eq3A_639 = arith.cmpi eq, %jit3A_637, %eq3A_638 : i32
      %jit3A_640 = arith.constant 1 : i32
      %select_n3A_641 = arith.select %eq3A_639, %jit3A_640, %jit3A_637 : i32
      %rem3A_642 = arith.remsi %add3A_612, %select_n3A_641 : i32
      %ne3A_643 = arith.constant 0 : i32
      %ne3A_644 = arith.cmpi ne, %rem3A_642, %ne3A_643 : i32
      %lt3A_645 = arith.constant 0 : i32
      %lt3A_646 = arith.cmpi slt, %rem3A_642, %lt3A_645 : i32
      %lt3A_647 = arith.constant 0 : i32
      %lt3A_648 = arith.cmpi slt, %select_n3A_641, %lt3A_647 : i32
      %ne3A_649 = arith.xori %lt3A_646, %lt3A_648 : i1
      %and3A_650 = arith.andi %ne3A_649, %ne3A_644 : i1
      %add3A_651 = arith.addi %rem3A_642, %select_n3A_641 : i32
      %select_n3A_652 = arith.select %and3A_650, %add3A_651, %rem3A_642 : i32
      %mul3A_653 = arith.constant 64 : i32
      %mul3A_654 = arith.muli %select_n3A_652, %mul3A_653 : i32
      %add3A_655 = arith.addi %mul3A_2, %mul3A_654 : i32
      %dma_start3A_656 = arith.constant 1 : i32
      %dma_start3A_657 = arith.constant 0 : i32
      %dma_start3A_658 = arith.constant 0 : i32
      %dma_start3A_659 = arith.constant 0 : i32
      %dma_start3A_660 = tpu.memref_slice %arg6[%dma_start3A_656, %dma_start3A_657, %dma_start3A_658, %dma_start3A_659] : memref<2x5x64x128xf32, #tpu.memory_space<vmem>> -> memref<1x1x64x128xf32, #tpu.memory_space<vmem>>
      %dma_start3A_661 = tpu.memref_squeeze %dma_start3A_660 : memref<1x1x64x128xf32, #tpu.memory_space<vmem>> -> memref<64x128xf32, #tpu.memory_space<vmem>>
      %dma_start3A_662 = arith.constant 0 : i32
      %dma_start3A_663 = tpu.memref_slice %arg4[%select_n3A_636, %add3A_655, %dma_start3A_662] : memref<50x4096x128xf32, #tpu.memory_space<hbm>> -> memref<1x64x128xf32, #tpu.memory_space<hbm>>
      %dma_start3A_664 = tpu.memref_squeeze %dma_start3A_663 : memref<1x64x128xf32, #tpu.memory_space<hbm>> -> memref<64x128xf32, #tpu.memory_space<hbm>>
      %dma_start3A_665 = arith.constant 0 : i32
      %dma_start3A_666 = tpu.memref_slice %arg4[%select_n3A_636, %add3A_655, %dma_start3A_665] : memref<50x4096x128xf32, #tpu.memory_space<hbm>> -> memref<1x64x128xf32, #tpu.memory_space<hbm>>
      %dma_start3A_667 = tpu.memref_squeeze %dma_start3A_666 : memref<1x64x128xf32, #tpu.memory_space<hbm>> -> memref<64x128xf32, #tpu.memory_space<hbm>>
      %dma_start3A_668 = arith.constant 0 : i32
      %dma_start3A_669 = arith.constant 0 : i32
      %dma_start3A_670 = tpu.memref_slice %arg6[%dma_start3A_656, %dma_start3A_657, %dma_start3A_668, %dma_start3A_669] : memref<2x5x64x128xf32, #tpu.memory_space<vmem>> -> memref<1x1x64x128xf32, #tpu.memory_space<vmem>>
      %dma_start3A_671 = tpu.memref_squeeze %dma_start3A_670 : memref<1x1x64x128xf32, #tpu.memory_space<vmem>> -> memref<64x128xf32, #tpu.memory_space<vmem>>
      tpu.enqueue_dma source(%dma_start3A_671 : memref<64x128xf32, #tpu.memory_space<vmem>>) target(%dma_start3A_667 : memref<64x128xf32, #tpu.memory_space<hbm>>) target_semaphore(%arg9 : memref<!tpu.dma_semaphore, #tpu.memory_space<semaphore_mem>>)
      %mul3A_672 = arith.constant 5 : i32
      %mul3A_673 = arith.muli %add3A_543, %mul3A_672 : i32
      %add3A_674 = arith.constant 1 : i32
      %add3A_675 = arith.addi %mul3A_673, %add3A_674 : i32
      %jit3A_676 = arith.constant 2 : i32
      %div3A_677 = arith.divsi %add3A_675, %jit3A_676 : i32
      %sign3A_678 = arith.constant 0 : i32
      %sign3A_679 = arith.cmpi sgt, %add3A_675, %sign3A_678 : i32
      %sign3A_680 = arith.extui %sign3A_679 : i1 to i32
      %sign3A_681 = arith.constant 0 : i32
      %sign3A_682 = arith.cmpi slt, %add3A_675, %sign3A_681 : i32
      %sign3A_683 = arith.extui %sign3A_682 : i1 to i32
      %sign3A_684 = arith.subi %sign3A_680, %sign3A_683 : i32
      %sign3A_685 = arith.constant 0 : i32
      %sign3A_686 = arith.cmpi sgt, %jit3A_676, %sign3A_685 : i32
      %sign3A_687 = arith.extui %sign3A_686 : i1 to i32
      %sign3A_688 = arith.constant 0 : i32
      %sign3A_689 = arith.cmpi slt, %jit3A_676, %sign3A_688 : i32
      %sign3A_690 = arith.extui %sign3A_689 : i1 to i32
      %sign3A_691 = arith.subi %sign3A_687, %sign3A_690 : i32
      %ne3A_692 = arith.cmpi ne, %sign3A_684, %sign3A_691 : i32
      %rem3A_693 = arith.remsi %add3A_675, %jit3A_676 : i32
      %ne3A_694 = arith.constant 0 : i32
      %ne3A_695 = arith.cmpi ne, %rem3A_693, %ne3A_694 : i32
      %and3A_696 = arith.andi %ne3A_692, %ne3A_695 : i1
      %sub3A_697 = arith.constant 1 : i32
      %sub3A_698 = arith.subi %div3A_677, %sub3A_697 : i32
      %select_n3A_699 = arith.select %and3A_696, %sub3A_698, %div3A_677 : i32
      %jit3A_700 = arith.constant 2 : i32
      %eq3A_701 = arith.constant 0 : i32
      %eq3A_702 = arith.cmpi eq, %jit3A_700, %eq3A_701 : i32
      %jit3A_703 = arith.constant 1 : i32
      %select_n3A_704 = arith.select %eq3A_702, %jit3A_703, %jit3A_700 : i32
      %rem3A_705 = arith.remsi %add3A_675, %select_n3A_704 : i32
      %ne3A_706 = arith.constant 0 : i32
      %ne3A_707 = arith.cmpi ne, %rem3A_705, %ne3A_706 : i32
      %lt3A_708 = arith.constant 0 : i32
      %lt3A_709 = arith.cmpi slt, %rem3A_705, %lt3A_708 : i32
      %lt3A_710 = arith.constant 0 : i32
      %lt3A_711 = arith.cmpi slt, %select_n3A_704, %lt3A_710 : i32
      %ne3A_712 = arith.xori %lt3A_709, %lt3A_711 : i1
      %and3A_713 = arith.andi %ne3A_712, %ne3A_707 : i1
      %add3A_714 = arith.addi %rem3A_705, %select_n3A_704 : i32
      %select_n3A_715 = arith.select %and3A_713, %add3A_714, %rem3A_705 : i32
      %mul3A_716 = arith.constant 64 : i32
      %mul3A_717 = arith.muli %select_n3A_715, %mul3A_716 : i32
      %add3A_718 = arith.addi %mul3A_2, %mul3A_717 : i32
      %dma_start3A_719 = arith.constant 1 : i32
      %dma_start3A_720 = arith.constant 1 : i32
      %dma_start3A_721 = arith.constant 0 : i32
      %dma_start3A_722 = arith.constant 0 : i32
      %dma_start3A_723 = tpu.memref_slice %arg6[%dma_start3A_719, %dma_start3A_720, %dma_start3A_721, %dma_start3A_722] : memref<2x5x64x128xf32, #tpu.memory_space<vmem>> -> memref<1x1x64x128xf32, #tpu.memory_space<vmem>>
      %dma_start3A_724 = tpu.memref_squeeze %dma_start3A_723 : memref<1x1x64x128xf32, #tpu.memory_space<vmem>> -> memref<64x128xf32, #tpu.memory_space<vmem>>
      %dma_start3A_725 = arith.constant 0 : i32
      %dma_start3A_726 = tpu.memref_slice %arg4[%select_n3A_699, %add3A_718, %dma_start3A_725] : memref<50x4096x128xf32, #tpu.memory_space<hbm>> -> memref<1x64x128xf32, #tpu.memory_space<hbm>>
      %dma_start3A_727 = tpu.memref_squeeze %dma_start3A_726 : memref<1x64x128xf32, #tpu.memory_space<hbm>> -> memref<64x128xf32, #tpu.memory_space<hbm>>
      %dma_start3A_728 = arith.constant 0 : i32
      %dma_start3A_729 = tpu.memref_slice %arg4[%select_n3A_699, %add3A_718, %dma_start3A_728] : memref<50x4096x128xf32, #tpu.memory_space<hbm>> -> memref<1x64x128xf32, #tpu.memory_space<hbm>>
      %dma_start3A_730 = tpu.memref_squeeze %dma_start3A_729 : memref<1x64x128xf32, #tpu.memory_space<hbm>> -> memref<64x128xf32, #tpu.memory_space<hbm>>
      %dma_start3A_731 = arith.constant 0 : i32
      %dma_start3A_732 = arith.constant 0 : i32
      %dma_start3A_733 = tpu.memref_slice %arg6[%dma_start3A_719, %dma_start3A_720, %dma_start3A_731, %dma_start3A_732] : memref<2x5x64x128xf32, #tpu.memory_space<vmem>> -> memref<1x1x64x128xf32, #tpu.memory_space<vmem>>
      %dma_start3A_734 = tpu.memref_squeeze %dma_start3A_733 : memref<1x1x64x128xf32, #tpu.memory_space<vmem>> -> memref<64x128xf32, #tpu.memory_space<vmem>>
      tpu.enqueue_dma source(%dma_start3A_734 : memref<64x128xf32, #tpu.memory_space<vmem>>) target(%dma_start3A_730 : memref<64x128xf32, #tpu.memory_space<hbm>>) target_semaphore(%arg9 : memref<!tpu.dma_semaphore, #tpu.memory_space<semaphore_mem>>)
      %mul3A_735 = arith.constant 5 : i32
      %mul3A_736 = arith.muli %add3A_543, %mul3A_735 : i32
      %add3A_737 = arith.constant 2 : i32
      %add3A_738 = arith.addi %mul3A_736, %add3A_737 : i32
      %jit3A_739 = arith.constant 2 : i32
      %div3A_740 = arith.divsi %add3A_738, %jit3A_739 : i32
      %sign3A_741 = arith.constant 0 : i32
      %sign3A_742 = arith.cmpi sgt, %add3A_738, %sign3A_741 : i32
      %sign3A_743 = arith.extui %sign3A_742 : i1 to i32
      %sign3A_744 = arith.constant 0 : i32
      %sign3A_745 = arith.cmpi slt, %add3A_738, %sign3A_744 : i32
      %sign3A_746 = arith.extui %sign3A_745 : i1 to i32
      %sign3A_747 = arith.subi %sign3A_743, %sign3A_746 : i32
      %sign3A_748 = arith.constant 0 : i32
      %sign3A_749 = arith.cmpi sgt, %jit3A_739, %sign3A_748 : i32
      %sign3A_750 = arith.extui %sign3A_749 : i1 to i32
      %sign3A_751 = arith.constant 0 : i32
      %sign3A_752 = arith.cmpi slt, %jit3A_739, %sign3A_751 : i32
      %sign3A_753 = arith.extui %sign3A_752 : i1 to i32
      %sign3A_754 = arith.subi %sign3A_750, %sign3A_753 : i32
      %ne3A_755 = arith.cmpi ne, %sign3A_747, %sign3A_754 : i32
      %rem3A_756 = arith.remsi %add3A_738, %jit3A_739 : i32
      %ne3A_757 = arith.constant 0 : i32
      %ne3A_758 = arith.cmpi ne, %rem3A_756, %ne3A_757 : i32
      %and3A_759 = arith.andi %ne3A_755, %ne3A_758 : i1
      %sub3A_760 = arith.constant 1 : i32
      %sub3A_761 = arith.subi %div3A_740, %sub3A_760 : i32
      %select_n3A_762 = arith.select %and3A_759, %sub3A_761, %div3A_740 : i32
      %jit3A_763 = arith.constant 2 : i32
      %eq3A_764 = arith.constant 0 : i32
      %eq3A_765 = arith.cmpi eq, %jit3A_763, %eq3A_764 : i32
      %jit3A_766 = arith.constant 1 : i32
      %select_n3A_767 = arith.select %eq3A_765, %jit3A_766, %jit3A_763 : i32
      %rem3A_768 = arith.remsi %add3A_738, %select_n3A_767 : i32
      %ne3A_769 = arith.constant 0 : i32
      %ne3A_770 = arith.cmpi ne, %rem3A_768, %ne3A_769 : i32
      %lt3A_771 = arith.constant 0 : i32
      %lt3A_772 = arith.cmpi slt, %rem3A_768, %lt3A_771 : i32
      %lt3A_773 = arith.constant 0 : i32
      %lt3A_774 = arith.cmpi slt, %select_n3A_767, %lt3A_773 : i32
      %ne3A_775 = arith.xori %lt3A_772, %lt3A_774 : i1
      %and3A_776 = arith.andi %ne3A_775, %ne3A_770 : i1
      %add3A_777 = arith.addi %rem3A_768, %select_n3A_767 : i32
      %select_n3A_778 = arith.select %and3A_776, %add3A_777, %rem3A_768 : i32
      %mul3A_779 = arith.constant 64 : i32
      %mul3A_780 = arith.muli %select_n3A_778, %mul3A_779 : i32
      %add3A_781 = arith.addi %mul3A_2, %mul3A_780 : i32
      %dma_start3A_782 = arith.constant 1 : i32
      %dma_start3A_783 = arith.constant 2 : i32
      %dma_start3A_784 = arith.constant 0 : i32
      %dma_start3A_785 = arith.constant 0 : i32
      %dma_start3A_786 = tpu.memref_slice %arg6[%dma_start3A_782, %dma_start3A_783, %dma_start3A_784, %dma_start3A_785] : memref<2x5x64x128xf32, #tpu.memory_space<vmem>> -> memref<1x1x64x128xf32, #tpu.memory_space<vmem>>
      %dma_start3A_787 = tpu.memref_squeeze %dma_start3A_786 : memref<1x1x64x128xf32, #tpu.memory_space<vmem>> -> memref<64x128xf32, #tpu.memory_space<vmem>>
      %dma_start3A_788 = arith.constant 0 : i32
      %dma_start3A_789 = tpu.memref_slice %arg4[%select_n3A_762, %add3A_781, %dma_start3A_788] : memref<50x4096x128xf32, #tpu.memory_space<hbm>> -> memref<1x64x128xf32, #tpu.memory_space<hbm>>
      %dma_start3A_790 = tpu.memref_squeeze %dma_start3A_789 : memref<1x64x128xf32, #tpu.memory_space<hbm>> -> memref<64x128xf32, #tpu.memory_space<hbm>>
      %dma_start3A_791 = arith.constant 0 : i32
      %dma_start3A_792 = tpu.memref_slice %arg4[%select_n3A_762, %add3A_781, %dma_start3A_791] : memref<50x4096x128xf32, #tpu.memory_space<hbm>> -> memref<1x64x128xf32, #tpu.memory_space<hbm>>
      %dma_start3A_793 = tpu.memref_squeeze %dma_start3A_792 : memref<1x64x128xf32, #tpu.memory_space<hbm>> -> memref<64x128xf32, #tpu.memory_space<hbm>>
      %dma_start3A_794 = arith.constant 0 : i32
      %dma_start3A_795 = arith.constant 0 : i32
      %dma_start3A_796 = tpu.memref_slice %arg6[%dma_start3A_782, %dma_start3A_783, %dma_start3A_794, %dma_start3A_795] : memref<2x5x64x128xf32, #tpu.memory_space<vmem>> -> memref<1x1x64x128xf32, #tpu.memory_space<vmem>>
      %dma_start3A_797 = tpu.memref_squeeze %dma_start3A_796 : memref<1x1x64x128xf32, #tpu.memory_space<vmem>> -> memref<64x128xf32, #tpu.memory_space<vmem>>
      tpu.enqueue_dma source(%dma_start3A_797 : memref<64x128xf32, #tpu.memory_space<vmem>>) target(%dma_start3A_793 : memref<64x128xf32, #tpu.memory_space<hbm>>) target_semaphore(%arg9 : memref<!tpu.dma_semaphore, #tpu.memory_space<semaphore_mem>>)
      %mul3A_798 = arith.constant 5 : i32
      %mul3A_799 = arith.muli %add3A_543, %mul3A_798 : i32
      %add3A_800 = arith.constant 3 : i32
      %add3A_801 = arith.addi %mul3A_799, %add3A_800 : i32
      %jit3A_802 = arith.constant 2 : i32
      %div3A_803 = arith.divsi %add3A_801, %jit3A_802 : i32
      %sign3A_804 = arith.constant 0 : i32
      %sign3A_805 = arith.cmpi sgt, %add3A_801, %sign3A_804 : i32
      %sign3A_806 = arith.extui %sign3A_805 : i1 to i32
      %sign3A_807 = arith.constant 0 : i32
      %sign3A_808 = arith.cmpi slt, %add3A_801, %sign3A_807 : i32
      %sign3A_809 = arith.extui %sign3A_808 : i1 to i32
      %sign3A_810 = arith.subi %sign3A_806, %sign3A_809 : i32
      %sign3A_811 = arith.constant 0 : i32
      %sign3A_812 = arith.cmpi sgt, %jit3A_802, %sign3A_811 : i32
      %sign3A_813 = arith.extui %sign3A_812 : i1 to i32
      %sign3A_814 = arith.constant 0 : i32
      %sign3A_815 = arith.cmpi slt, %jit3A_802, %sign3A_814 : i32
      %sign3A_816 = arith.extui %sign3A_815 : i1 to i32
      %sign3A_817 = arith.subi %sign3A_813, %sign3A_816 : i32
      %ne3A_818 = arith.cmpi ne, %sign3A_810, %sign3A_817 : i32
      %rem3A_819 = arith.remsi %add3A_801, %jit3A_802 : i32
      %ne3A_820 = arith.constant 0 : i32
      %ne3A_821 = arith.cmpi ne, %rem3A_819, %ne3A_820 : i32
      %and3A_822 = arith.andi %ne3A_818, %ne3A_821 : i1
      %sub3A_823 = arith.constant 1 : i32
      %sub3A_824 = arith.subi %div3A_803, %sub3A_823 : i32
      %select_n3A_825 = arith.select %and3A_822, %sub3A_824, %div3A_803 : i32
      %jit3A_826 = arith.constant 2 : i32
      %eq3A_827 = arith.constant 0 : i32
      %eq3A_828 = arith.cmpi eq, %jit3A_826, %eq3A_827 : i32
      %jit3A_829 = arith.constant 1 : i32
      %select_n3A_830 = arith.select %eq3A_828, %jit3A_829, %jit3A_826 : i32
      %rem3A_831 = arith.remsi %add3A_801, %select_n3A_830 : i32
      %ne3A_832 = arith.constant 0 : i32
      %ne3A_833 = arith.cmpi ne, %rem3A_831, %ne3A_832 : i32
      %lt3A_834 = arith.constant 0 : i32
      %lt3A_835 = arith.cmpi slt, %rem3A_831, %lt3A_834 : i32
      %lt3A_836 = arith.constant 0 : i32
      %lt3A_837 = arith.cmpi slt, %select_n3A_830, %lt3A_836 : i32
      %ne3A_838 = arith.xori %lt3A_835, %lt3A_837 : i1
      %and3A_839 = arith.andi %ne3A_838, %ne3A_833 : i1
      %add3A_840 = arith.addi %rem3A_831, %select_n3A_830 : i32
      %select_n3A_841 = arith.select %and3A_839, %add3A_840, %rem3A_831 : i32
      %mul3A_842 = arith.constant 64 : i32
      %mul3A_843 = arith.muli %select_n3A_841, %mul3A_842 : i32
      %add3A_844 = arith.addi %mul3A_2, %mul3A_843 : i32
      %dma_start3A_845 = arith.constant 1 : i32
      %dma_start3A_846 = arith.constant 3 : i32
      %dma_start3A_847 = arith.constant 0 : i32
      %dma_start3A_848 = arith.constant 0 : i32
      %dma_start3A_849 = tpu.memref_slice %arg6[%dma_start3A_845, %dma_start3A_846, %dma_start3A_847, %dma_start3A_848] : memref<2x5x64x128xf32, #tpu.memory_space<vmem>> -> memref<1x1x64x128xf32, #tpu.memory_space<vmem>>
      %dma_start3A_850 = tpu.memref_squeeze %dma_start3A_849 : memref<1x1x64x128xf32, #tpu.memory_space<vmem>> -> memref<64x128xf32, #tpu.memory_space<vmem>>
      %dma_start3A_851 = arith.constant 0 : i32
      %dma_start3A_852 = tpu.memref_slice %arg4[%select_n3A_825, %add3A_844, %dma_start3A_851] : memref<50x4096x128xf32, #tpu.memory_space<hbm>> -> memref<1x64x128xf32, #tpu.memory_space<hbm>>
      %dma_start3A_853 = tpu.memref_squeeze %dma_start3A_852 : memref<1x64x128xf32, #tpu.memory_space<hbm>> -> memref<64x128xf32, #tpu.memory_space<hbm>>
      %dma_start3A_854 = arith.constant 0 : i32
      %dma_start3A_855 = tpu.memref_slice %arg4[%select_n3A_825, %add3A_844, %dma_start3A_854] : memref<50x4096x128xf32, #tpu.memory_space<hbm>> -> memref<1x64x128xf32, #tpu.memory_space<hbm>>
      %dma_start3A_856 = tpu.memref_squeeze %dma_start3A_855 : memref<1x64x128xf32, #tpu.memory_space<hbm>> -> memref<64x128xf32, #tpu.memory_space<hbm>>
      %dma_start3A_857 = arith.constant 0 : i32
      %dma_start3A_858 = arith.constant 0 : i32
      %dma_start3A_859 = tpu.memref_slice %arg6[%dma_start3A_845, %dma_start3A_846, %dma_start3A_857, %dma_start3A_858] : memref<2x5x64x128xf32, #tpu.memory_space<vmem>> -> memref<1x1x64x128xf32, #tpu.memory_space<vmem>>
      %dma_start3A_860 = tpu.memref_squeeze %dma_start3A_859 : memref<1x1x64x128xf32, #tpu.memory_space<vmem>> -> memref<64x128xf32, #tpu.memory_space<vmem>>
      tpu.enqueue_dma source(%dma_start3A_860 : memref<64x128xf32, #tpu.memory_space<vmem>>) target(%dma_start3A_856 : memref<64x128xf32, #tpu.memory_space<hbm>>) target_semaphore(%arg9 : memref<!tpu.dma_semaphore, #tpu.memory_space<semaphore_mem>>)
      %mul3A_861 = arith.constant 5 : i32
      %mul3A_862 = arith.muli %add3A_543, %mul3A_861 : i32
      %add3A_863 = arith.constant 4 : i32
      %add3A_864 = arith.addi %mul3A_862, %add3A_863 : i32
      %jit3A_865 = arith.constant 2 : i32
      %div3A_866 = arith.divsi %add3A_864, %jit3A_865 : i32
      %sign3A_867 = arith.constant 0 : i32
      %sign3A_868 = arith.cmpi sgt, %add3A_864, %sign3A_867 : i32
      %sign3A_869 = arith.extui %sign3A_868 : i1 to i32
      %sign3A_870 = arith.constant 0 : i32
      %sign3A_871 = arith.cmpi slt, %add3A_864, %sign3A_870 : i32
      %sign3A_872 = arith.extui %sign3A_871 : i1 to i32
      %sign3A_873 = arith.subi %sign3A_869, %sign3A_872 : i32
      %sign3A_874 = arith.constant 0 : i32
      %sign3A_875 = arith.cmpi sgt, %jit3A_865, %sign3A_874 : i32
      %sign3A_876 = arith.extui %sign3A_875 : i1 to i32
      %sign3A_877 = arith.constant 0 : i32
      %sign3A_878 = arith.cmpi slt, %jit3A_865, %sign3A_877 : i32
      %sign3A_879 = arith.extui %sign3A_878 : i1 to i32
      %sign3A_880 = arith.subi %sign3A_876, %sign3A_879 : i32
      %ne3A_881 = arith.cmpi ne, %sign3A_873, %sign3A_880 : i32
      %rem3A_882 = arith.remsi %add3A_864, %jit3A_865 : i32
      %ne3A_883 = arith.constant 0 : i32
      %ne3A_884 = arith.cmpi ne, %rem3A_882, %ne3A_883 : i32
      %and3A_885 = arith.andi %ne3A_881, %ne3A_884 : i1
      %sub3A_886 = arith.constant 1 : i32
      %sub3A_887 = arith.subi %div3A_866, %sub3A_886 : i32
      %select_n3A_888 = arith.select %and3A_885, %sub3A_887, %div3A_866 : i32
      %jit3A_889 = arith.constant 2 : i32
      %eq3A_890 = arith.constant 0 : i32
      %eq3A_891 = arith.cmpi eq, %jit3A_889, %eq3A_890 : i32
      %jit3A_892 = arith.constant 1 : i32
      %select_n3A_893 = arith.select %eq3A_891, %jit3A_892, %jit3A_889 : i32
      %rem3A_894 = arith.remsi %add3A_864, %select_n3A_893 : i32
      %ne3A_895 = arith.constant 0 : i32
      %ne3A_896 = arith.cmpi ne, %rem3A_894, %ne3A_895 : i32
      %lt3A_897 = arith.constant 0 : i32
      %lt3A_898 = arith.cmpi slt, %rem3A_894, %lt3A_897 : i32
      %lt3A_899 = arith.constant 0 : i32
      %lt3A_900 = arith.cmpi slt, %select_n3A_893, %lt3A_899 : i32
      %ne3A_901 = arith.xori %lt3A_898, %lt3A_900 : i1
      %and3A_902 = arith.andi %ne3A_901, %ne3A_896 : i1
      %add3A_903 = arith.addi %rem3A_894, %select_n3A_893 : i32
      %select_n3A_904 = arith.select %and3A_902, %add3A_903, %rem3A_894 : i32
      %mul3A_905 = arith.constant 64 : i32
      %mul3A_906 = arith.muli %select_n3A_904, %mul3A_905 : i32
      %add3A_907 = arith.addi %mul3A_2, %mul3A_906 : i32
      %dma_start3A_908 = arith.constant 1 : i32
      %dma_start3A_909 = arith.constant 4 : i32
      %dma_start3A_910 = arith.constant 0 : i32
      %dma_start3A_911 = arith.constant 0 : i32
      %dma_start3A_912 = tpu.memref_slice %arg6[%dma_start3A_908, %dma_start3A_909, %dma_start3A_910, %dma_start3A_911] : memref<2x5x64x128xf32, #tpu.memory_space<vmem>> -> memref<1x1x64x128xf32, #tpu.memory_space<vmem>>
      %dma_start3A_913 = tpu.memref_squeeze %dma_start3A_912 : memref<1x1x64x128xf32, #tpu.memory_space<vmem>> -> memref<64x128xf32, #tpu.memory_space<vmem>>
      %dma_start3A_914 = arith.constant 0 : i32
      %dma_start3A_915 = tpu.memref_slice %arg4[%select_n3A_888, %add3A_907, %dma_start3A_914] : memref<50x4096x128xf32, #tpu.memory_space<hbm>> -> memref<1x64x128xf32, #tpu.memory_space<hbm>>
      %dma_start3A_916 = tpu.memref_squeeze %dma_start3A_915 : memref<1x64x128xf32, #tpu.memory_space<hbm>> -> memref<64x128xf32, #tpu.memory_space<hbm>>
      %dma_start3A_917 = arith.constant 0 : i32
      %dma_start3A_918 = tpu.memref_slice %arg4[%select_n3A_888, %add3A_907, %dma_start3A_917] : memref<50x4096x128xf32, #tpu.memory_space<hbm>> -> memref<1x64x128xf32, #tpu.memory_space<hbm>>
      %dma_start3A_919 = tpu.memref_squeeze %dma_start3A_918 : memref<1x64x128xf32, #tpu.memory_space<hbm>> -> memref<64x128xf32, #tpu.memory_space<hbm>>
      %dma_start3A_920 = arith.constant 0 : i32
      %dma_start3A_921 = arith.constant 0 : i32
      %dma_start3A_922 = tpu.memref_slice %arg6[%dma_start3A_908, %dma_start3A_909, %dma_start3A_920, %dma_start3A_921] : memref<2x5x64x128xf32, #tpu.memory_space<vmem>> -> memref<1x1x64x128xf32, #tpu.memory_space<vmem>>
      %dma_start3A_923 = tpu.memref_squeeze %dma_start3A_922 : memref<1x1x64x128xf32, #tpu.memory_space<vmem>> -> memref<64x128xf32, #tpu.memory_space<vmem>>
      tpu.enqueue_dma source(%dma_start3A_923 : memref<64x128xf32, #tpu.memory_space<vmem>>) target(%dma_start3A_919 : memref<64x128xf32, #tpu.memory_space<hbm>>) target_semaphore(%arg9 : memref<!tpu.dma_semaphore, #tpu.memory_space<semaphore_mem>>)
      %ge3A_924 = arith.constant 1 : i32
      %ge3A_925 = arith.cmpi sge, %add3A_543, %ge3A_924 : i32
      %convert_element_type3A_926 = arith.extui %ge3A_925 : i1 to i32
      %cond3A_927 = arith.constant 0 : i32
      %cond3A_928 = arith.cmpi ne, %convert_element_type3A_926, %cond3A_927 : i32
      scf.if %cond3A_928 {
        %dma_wait3A_936 = arith.constant 0 : i32
        %dma_wait3A_937 = arith.constant 0 : i32
        %dma_wait3A_938 = arith.constant 0 : i32
        %dma_wait3A_939 = arith.constant 0 : i32
        %dma_wait3A_940 = arith.constant 0 : i32
        %dma_wait3A_941 = tpu.memref_slice %arg6[%dma_wait3A_936, %dma_wait3A_937, %dma_wait3A_939, %dma_wait3A_940] : memref<2x5x64x128xf32, #tpu.memory_space<vmem>> -> memref<1x1x64x128xf32, #tpu.memory_space<vmem>>
        %dma_wait3A_942 = tpu.memref_squeeze %dma_wait3A_941 : memref<1x1x64x128xf32, #tpu.memory_space<vmem>> -> memref<64x128xf32, #tpu.memory_space<vmem>>
        %dma_wait3A_943 = arith.constant 0 : i32
        %dma_wait3A_944 = tpu.memref_slice %arg4[%dma_wait3A_938, %mul3A_2, %dma_wait3A_943] : memref<50x4096x128xf32, #tpu.memory_space<hbm>> -> memref<1x64x128xf32, #tpu.memory_space<hbm>>
        %dma_wait3A_945 = tpu.memref_squeeze %dma_wait3A_944 : memref<1x64x128xf32, #tpu.memory_space<hbm>> -> memref<64x128xf32, #tpu.memory_space<hbm>>
        %dma_wait3A_946 = arith.constant 0 : i32
        %dma_wait3A_947 = tpu.memref_slice %arg4[%dma_wait3A_938, %mul3A_2, %dma_wait3A_946] : memref<50x4096x128xf32, #tpu.memory_space<hbm>> -> memref<1x64x128xf32, #tpu.memory_space<hbm>>
        %dma_wait3A_948 = tpu.memref_squeeze %dma_wait3A_947 : memref<1x64x128xf32, #tpu.memory_space<hbm>> -> memref<64x128xf32, #tpu.memory_space<hbm>>
        %dma_wait3A_949 = arith.constant 0 : i32
        %dma_wait3A_950 = arith.constant 0 : i32
        %dma_wait3A_951 = tpu.memref_slice %arg6[%dma_wait3A_936, %dma_wait3A_937, %dma_wait3A_949, %dma_wait3A_950] : memref<2x5x64x128xf32, #tpu.memory_space<vmem>> -> memref<1x1x64x128xf32, #tpu.memory_space<vmem>>
        %dma_wait3A_952 = tpu.memref_squeeze %dma_wait3A_951 : memref<1x1x64x128xf32, #tpu.memory_space<vmem>> -> memref<64x128xf32, #tpu.memory_space<vmem>>
        tpu.wait_dma2 semaphore(%arg8 : memref<!tpu.dma_semaphore, #tpu.memory_space<semaphore_mem>>) src(%dma_wait3A_952 : memref<64x128xf32, #tpu.memory_space<vmem>>) dst(%dma_wait3A_948 : memref<64x128xf32, #tpu.memory_space<hbm>>)
        %dma_wait3A_953 = arith.constant 0 : i32
        %dma_wait3A_954 = arith.constant 1 : i32
        %dma_wait3A_955 = arith.constant 0 : i32
        %dma_wait3A_956 = arith.constant 0 : i32
        %dma_wait3A_957 = arith.constant 0 : i32
        %dma_wait3A_958 = tpu.memref_slice %arg6[%dma_wait3A_953, %dma_wait3A_954, %dma_wait3A_956, %dma_wait3A_957] : memref<2x5x64x128xf32, #tpu.memory_space<vmem>> -> memref<1x1x64x128xf32, #tpu.memory_space<vmem>>
        %dma_wait3A_959 = tpu.memref_squeeze %dma_wait3A_958 : memref<1x1x64x128xf32, #tpu.memory_space<vmem>> -> memref<64x128xf32, #tpu.memory_space<vmem>>
        %dma_wait3A_960 = arith.constant 0 : i32
        %dma_wait3A_961 = tpu.memref_slice %arg4[%dma_wait3A_955, %mul3A_2, %dma_wait3A_960] : memref<50x4096x128xf32, #tpu.memory_space<hbm>> -> memref<1x64x128xf32, #tpu.memory_space<hbm>>
        %dma_wait3A_962 = tpu.memref_squeeze %dma_wait3A_961 : memref<1x64x128xf32, #tpu.memory_space<hbm>> -> memref<64x128xf32, #tpu.memory_space<hbm>>
        %dma_wait3A_963 = arith.constant 0 : i32
        %dma_wait3A_964 = tpu.memref_slice %arg4[%dma_wait3A_955, %mul3A_2, %dma_wait3A_963] : memref<50x4096x128xf32, #tpu.memory_space<hbm>> -> memref<1x64x128xf32, #tpu.memory_space<hbm>>
        %dma_wait3A_965 = tpu.memref_squeeze %dma_wait3A_964 : memref<1x64x128xf32, #tpu.memory_space<hbm>> -> memref<64x128xf32, #tpu.memory_space<hbm>>
        %dma_wait3A_966 = arith.constant 0 : i32
        %dma_wait3A_967 = arith.constant 0 : i32
        %dma_wait3A_968 = tpu.memref_slice %arg6[%dma_wait3A_953, %dma_wait3A_954, %dma_wait3A_966, %dma_wait3A_967] : memref<2x5x64x128xf32, #tpu.memory_space<vmem>> -> memref<1x1x64x128xf32, #tpu.memory_space<vmem>>
        %dma_wait3A_969 = tpu.memref_squeeze %dma_wait3A_968 : memref<1x1x64x128xf32, #tpu.memory_space<vmem>> -> memref<64x128xf32, #tpu.memory_space<vmem>>
        tpu.wait_dma2 semaphore(%arg8 : memref<!tpu.dma_semaphore, #tpu.memory_space<semaphore_mem>>) src(%dma_wait3A_969 : memref<64x128xf32, #tpu.memory_space<vmem>>) dst(%dma_wait3A_965 : memref<64x128xf32, #tpu.memory_space<hbm>>)
        %dma_wait3A_970 = arith.constant 0 : i32
        %dma_wait3A_971 = arith.constant 2 : i32
        %dma_wait3A_972 = arith.constant 0 : i32
        %dma_wait3A_973 = arith.constant 0 : i32
        %dma_wait3A_974 = arith.constant 0 : i32
        %dma_wait3A_975 = tpu.memref_slice %arg6[%dma_wait3A_970, %dma_wait3A_971, %dma_wait3A_973, %dma_wait3A_974] : memref<2x5x64x128xf32, #tpu.memory_space<vmem>> -> memref<1x1x64x128xf32, #tpu.memory_space<vmem>>
        %dma_wait3A_976 = tpu.memref_squeeze %dma_wait3A_975 : memref<1x1x64x128xf32, #tpu.memory_space<vmem>> -> memref<64x128xf32, #tpu.memory_space<vmem>>
        %dma_wait3A_977 = arith.constant 0 : i32
        %dma_wait3A_978 = tpu.memref_slice %arg4[%dma_wait3A_972, %mul3A_2, %dma_wait3A_977] : memref<50x4096x128xf32, #tpu.memory_space<hbm>> -> memref<1x64x128xf32, #tpu.memory_space<hbm>>
        %dma_wait3A_979 = tpu.memref_squeeze %dma_wait3A_978 : memref<1x64x128xf32, #tpu.memory_space<hbm>> -> memref<64x128xf32, #tpu.memory_space<hbm>>
        %dma_wait3A_980 = arith.constant 0 : i32
        %dma_wait3A_981 = tpu.memref_slice %arg4[%dma_wait3A_972, %mul3A_2, %dma_wait3A_980] : memref<50x4096x128xf32, #tpu.memory_space<hbm>> -> memref<1x64x128xf32, #tpu.memory_space<hbm>>
        %dma_wait3A_982 = tpu.memref_squeeze %dma_wait3A_981 : memref<1x64x128xf32, #tpu.memory_space<hbm>> -> memref<64x128xf32, #tpu.memory_space<hbm>>
        %dma_wait3A_983 = arith.constant 0 : i32
        %dma_wait3A_984 = arith.constant 0 : i32
        %dma_wait3A_985 = tpu.memref_slice %arg6[%dma_wait3A_970, %dma_wait3A_971, %dma_wait3A_983, %dma_wait3A_984] : memref<2x5x64x128xf32, #tpu.memory_space<vmem>> -> memref<1x1x64x128xf32, #tpu.memory_space<vmem>>
        %dma_wait3A_986 = tpu.memref_squeeze %dma_wait3A_985 : memref<1x1x64x128xf32, #tpu.memory_space<vmem>> -> memref<64x128xf32, #tpu.memory_space<vmem>>
        tpu.wait_dma2 semaphore(%arg8 : memref<!tpu.dma_semaphore, #tpu.memory_space<semaphore_mem>>) src(%dma_wait3A_986 : memref<64x128xf32, #tpu.memory_space<vmem>>) dst(%dma_wait3A_982 : memref<64x128xf32, #tpu.memory_space<hbm>>)
        %dma_wait3A_987 = arith.constant 0 : i32
        %dma_wait3A_988 = arith.constant 3 : i32
        %dma_wait3A_989 = arith.constant 0 : i32
        %dma_wait3A_990 = arith.constant 0 : i32
        %dma_wait3A_991 = arith.constant 0 : i32
        %dma_wait3A_992 = tpu.memref_slice %arg6[%dma_wait3A_987, %dma_wait3A_988, %dma_wait3A_990, %dma_wait3A_991] : memref<2x5x64x128xf32, #tpu.memory_space<vmem>> -> memref<1x1x64x128xf32, #tpu.memory_space<vmem>>
        %dma_wait3A_993 = tpu.memref_squeeze %dma_wait3A_992 : memref<1x1x64x128xf32, #tpu.memory_space<vmem>> -> memref<64x128xf32, #tpu.memory_space<vmem>>
        %dma_wait3A_994 = arith.constant 0 : i32
        %dma_wait3A_995 = tpu.memref_slice %arg4[%dma_wait3A_989, %mul3A_2, %dma_wait3A_994] : memref<50x4096x128xf32, #tpu.memory_space<hbm>> -> memref<1x64x128xf32, #tpu.memory_space<hbm>>
        %dma_wait3A_996 = tpu.memref_squeeze %dma_wait3A_995 : memref<1x64x128xf32, #tpu.memory_space<hbm>> -> memref<64x128xf32, #tpu.memory_space<hbm>>
        %dma_wait3A_997 = arith.constant 0 : i32
        %dma_wait3A_998 = tpu.memref_slice %arg4[%dma_wait3A_989, %mul3A_2, %dma_wait3A_997] : memref<50x4096x128xf32, #tpu.memory_space<hbm>> -> memref<1x64x128xf32, #tpu.memory_space<hbm>>
        %dma_wait3A_999 = tpu.memref_squeeze %dma_wait3A_998 : memref<1x64x128xf32, #tpu.memory_space<hbm>> -> memref<64x128xf32, #tpu.memory_space<hbm>>
        %dma_wait3A_1000 = arith.constant 0 : i32
        %dma_wait3A_1001 = arith.constant 0 : i32
        %dma_wait3A_1002 = tpu.memref_slice %arg6[%dma_wait3A_987, %dma_wait3A_988, %dma_wait3A_1000, %dma_wait3A_1001] : memref<2x5x64x128xf32, #tpu.memory_space<vmem>> -> memref<1x1x64x128xf32, #tpu.memory_space<vmem>>
        %dma_wait3A_1003 = tpu.memref_squeeze %dma_wait3A_1002 : memref<1x1x64x128xf32, #tpu.memory_space<vmem>> -> memref<64x128xf32, #tpu.memory_space<vmem>>
        tpu.wait_dma2 semaphore(%arg8 : memref<!tpu.dma_semaphore, #tpu.memory_space<semaphore_mem>>) src(%dma_wait3A_1003 : memref<64x128xf32, #tpu.memory_space<vmem>>) dst(%dma_wait3A_999 : memref<64x128xf32, #tpu.memory_space<hbm>>)
        %dma_wait3A_1004 = arith.constant 0 : i32
        %dma_wait3A_1005 = arith.constant 4 : i32
        %dma_wait3A_1006 = arith.constant 0 : i32
        %dma_wait3A_1007 = arith.constant 0 : i32
        %dma_wait3A_1008 = arith.constant 0 : i32
        %dma_wait3A_1009 = tpu.memref_slice %arg6[%dma_wait3A_1004, %dma_wait3A_1005, %dma_wait3A_1007, %dma_wait3A_1008] : memref<2x5x64x128xf32, #tpu.memory_space<vmem>> -> memref<1x1x64x128xf32, #tpu.memory_space<vmem>>
        %dma_wait3A_1010 = tpu.memref_squeeze %dma_wait3A_1009 : memref<1x1x64x128xf32, #tpu.memory_space<vmem>> -> memref<64x128xf32, #tpu.memory_space<vmem>>
        %dma_wait3A_1011 = arith.constant 0 : i32
        %dma_wait3A_1012 = tpu.memref_slice %arg4[%dma_wait3A_1006, %mul3A_2, %dma_wait3A_1011] : memref<50x4096x128xf32, #tpu.memory_space<hbm>> -> memref<1x64x128xf32, #tpu.memory_space<hbm>>
        %dma_wait3A_1013 = tpu.memref_squeeze %dma_wait3A_1012 : memref<1x64x128xf32, #tpu.memory_space<hbm>> -> memref<64x128xf32, #tpu.memory_space<hbm>>
        %dma_wait3A_1014 = arith.constant 0 : i32
        %dma_wait3A_1015 = tpu.memref_slice %arg4[%dma_wait3A_1006, %mul3A_2, %dma_wait3A_1014] : memref<50x4096x128xf32, #tpu.memory_space<hbm>> -> memref<1x64x128xf32, #tpu.memory_space<hbm>>
        %dma_wait3A_1016 = tpu.memref_squeeze %dma_wait3A_1015 : memref<1x64x128xf32, #tpu.memory_space<hbm>> -> memref<64x128xf32, #tpu.memory_space<hbm>>
        %dma_wait3A_1017 = arith.constant 0 : i32
        %dma_wait3A_1018 = arith.constant 0 : i32
        %dma_wait3A_1019 = tpu.memref_slice %arg6[%dma_wait3A_1004, %dma_wait3A_1005, %dma_wait3A_1017, %dma_wait3A_1018] : memref<2x5x64x128xf32, #tpu.memory_space<vmem>> -> memref<1x1x64x128xf32, #tpu.memory_space<vmem>>
        %dma_wait3A_1020 = tpu.memref_squeeze %dma_wait3A_1019 : memref<1x1x64x128xf32, #tpu.memory_space<vmem>> -> memref<64x128xf32, #tpu.memory_space<vmem>>
        tpu.wait_dma2 semaphore(%arg8 : memref<!tpu.dma_semaphore, #tpu.memory_space<semaphore_mem>>) src(%dma_wait3A_1020 : memref<64x128xf32, #tpu.memory_space<vmem>>) dst(%dma_wait3A_1016 : memref<64x128xf32, #tpu.memory_space<hbm>>)
      } else {
      }
      %add3A_929 = arith.constant 1 : i32
      %add3A_930 = arith.addi %add3A_543, %add3A_929 : i32
      %lt3A_931 = arith.constant 20 : i32
      %lt3A_932 = arith.cmpi slt, %add3A_930, %lt3A_931 : i32
      %convert_element_type3A_933 = arith.extui %lt3A_932 : i1 to i32
      %cond3A_934 = arith.constant 0 : i32
      %cond3A_935 = arith.cmpi ne, %convert_element_type3A_933, %cond3A_934 : i32
      scf.if %cond3A_935 {
        %add3A_936 = arith.constant 1 : i32
        %add3A_937 = arith.addi %add3A_543, %add3A_936 : i32
        %mul3A_938 = arith.constant 5 : i32
        %mul3A_939 = arith.muli %add3A_937, %mul3A_938 : i32
        %add3A_940 = arith.constant 0 : i32
        %add3A_941 = arith.addi %mul3A_939, %add3A_940 : i32
        %jit3A_942 = arith.constant 2 : i32
        %div3A_943 = arith.divsi %add3A_941, %jit3A_942 : i32
        %sign3A_944 = arith.constant 0 : i32
        %sign3A_945 = arith.cmpi sgt, %add3A_941, %sign3A_944 : i32
        %sign3A_946 = arith.extui %sign3A_945 : i1 to i32
        %sign3A_947 = arith.constant 0 : i32
        %sign3A_948 = arith.cmpi slt, %add3A_941, %sign3A_947 : i32
        %sign3A_949 = arith.extui %sign3A_948 : i1 to i32
        %sign3A_950 = arith.subi %sign3A_946, %sign3A_949 : i32
        %sign3A_951 = arith.constant 0 : i32
        %sign3A_952 = arith.cmpi sgt, %jit3A_942, %sign3A_951 : i32
        %sign3A_953 = arith.extui %sign3A_952 : i1 to i32
        %sign3A_954 = arith.constant 0 : i32
        %sign3A_955 = arith.cmpi slt, %jit3A_942, %sign3A_954 : i32
        %sign3A_956 = arith.extui %sign3A_955 : i1 to i32
        %sign3A_957 = arith.subi %sign3A_953, %sign3A_956 : i32
        %ne3A_958 = arith.cmpi ne, %sign3A_950, %sign3A_957 : i32
        %rem3A_959 = arith.remsi %add3A_941, %jit3A_942 : i32
        %ne3A_960 = arith.constant 0 : i32
        %ne3A_961 = arith.cmpi ne, %rem3A_959, %ne3A_960 : i32
        %and3A_962 = arith.andi %ne3A_958, %ne3A_961 : i1
        %sub3A_963 = arith.constant 1 : i32
        %sub3A_964 = arith.subi %div3A_943, %sub3A_963 : i32
        %select_n3A_965 = arith.select %and3A_962, %sub3A_964, %div3A_943 : i32
        %jit3A_966 = arith.constant 2 : i32
        %eq3A_967 = arith.constant 0 : i32
        %eq3A_968 = arith.cmpi eq, %jit3A_966, %eq3A_967 : i32
        %jit3A_969 = arith.constant 1 : i32
        %select_n3A_970 = arith.select %eq3A_968, %jit3A_969, %jit3A_966 : i32
        %rem3A_971 = arith.remsi %add3A_941, %select_n3A_970 : i32
        %ne3A_972 = arith.constant 0 : i32
        %ne3A_973 = arith.cmpi ne, %rem3A_971, %ne3A_972 : i32
        %lt3A_974 = arith.constant 0 : i32
        %lt3A_975 = arith.cmpi slt, %rem3A_971, %lt3A_974 : i32
        %lt3A_976 = arith.constant 0 : i32
        %lt3A_977 = arith.cmpi slt, %select_n3A_970, %lt3A_976 : i32
        %ne3A_978 = arith.xori %lt3A_975, %lt3A_977 : i1
        %and3A_979 = arith.andi %ne3A_978, %ne3A_973 : i1
        %add3A_980 = arith.addi %rem3A_971, %select_n3A_970 : i32
        %select_n3A_981 = arith.select %and3A_979, %add3A_980, %rem3A_971 : i32
        %mul3A_982 = arith.constant 64 : i32
        %mul3A_983 = arith.muli %select_n3A_981, %mul3A_982 : i32
        %dma_start3A_984 = arith.constant 0 : i32
        %dma_start3A_985 = arith.constant 0 : i32
        %dma_start3A_986 = arith.constant 0 : i32
        %dma_start3A_987 = arith.constant 0 : i32
        %dma_start3A_988 = tpu.memref_slice %arg6[%dma_start3A_984, %dma_start3A_985, %dma_start3A_986, %dma_start3A_987] : memref<2x5x64x128xf32, #tpu.memory_space<vmem>> -> memref<1x1x64x128xf32, #tpu.memory_space<vmem>>
        %dma_start3A_989 = tpu.memref_squeeze %dma_start3A_988 : memref<1x1x64x128xf32, #tpu.memory_space<vmem>> -> memref<64x128xf32, #tpu.memory_space<vmem>>
        %dma_start3A_990 = tpu.memref_slice %arg5[%select_n3A_965, %mul3A_983] : memref<50x128xi32, #tpu.memory_space<vmem>> -> memref<1x64xi32, #tpu.memory_space<vmem>>
        %dma_start3A_991 = tpu.memref_squeeze %dma_start3A_990 : memref<1x64xi32, #tpu.memory_space<vmem>> -> memref<64xi32, #tpu.memory_space<vmem>>
        %dma_start3A_992 = arith.constant 0 : i32
        %dma_start3A_993 = arith.constant 0 : i32
        %dma_start3A_994 = tpu.memref_slice %arg2[%dma_start3A_992, %dma_start3A_993] : memref<10000x128xf32, #tpu.memory_space<hbm>> -> memref<10000x128xf32, #tpu.memory_space<hbm>>
        tpu.enqueue_indirect_dma source(%dma_start3A_994 : memref<10000x128xf32, #tpu.memory_space<hbm>>) target(%dma_start3A_989 : memref<64x128xf32, #tpu.memory_space<vmem>>) offsets(%dma_start3A_991 : memref<64xi32, #tpu.memory_space<vmem>>) semaphore(%arg7 : memref<!tpu.dma_semaphore, #tpu.memory_space<semaphore_mem>>)
        %mul3A_995 = arith.constant 5 : i32
        %mul3A_996 = arith.muli %add3A_937, %mul3A_995 : i32
        %add3A_997 = arith.constant 1 : i32
        %add3A_998 = arith.addi %mul3A_996, %add3A_997 : i32
        %jit3A_999 = arith.constant 2 : i32
        %div3A_1000 = arith.divsi %add3A_998, %jit3A_999 : i32
        %sign3A_1001 = arith.constant 0 : i32
        %sign3A_1002 = arith.cmpi sgt, %add3A_998, %sign3A_1001 : i32
        %sign3A_1003 = arith.extui %sign3A_1002 : i1 to i32
        %sign3A_1004 = arith.constant 0 : i32
        %sign3A_1005 = arith.cmpi slt, %add3A_998, %sign3A_1004 : i32
        %sign3A_1006 = arith.extui %sign3A_1005 : i1 to i32
        %sign3A_1007 = arith.subi %sign3A_1003, %sign3A_1006 : i32
        %sign3A_1008 = arith.constant 0 : i32
        %sign3A_1009 = arith.cmpi sgt, %jit3A_999, %sign3A_1008 : i32
        %sign3A_1010 = arith.extui %sign3A_1009 : i1 to i32
        %sign3A_1011 = arith.constant 0 : i32
        %sign3A_1012 = arith.cmpi slt, %jit3A_999, %sign3A_1011 : i32
        %sign3A_1013 = arith.extui %sign3A_1012 : i1 to i32
        %sign3A_1014 = arith.subi %sign3A_1010, %sign3A_1013 : i32
        %ne3A_1015 = arith.cmpi ne, %sign3A_1007, %sign3A_1014 : i32
        %rem3A_1016 = arith.remsi %add3A_998, %jit3A_999 : i32
        %ne3A_1017 = arith.constant 0 : i32
        %ne3A_1018 = arith.cmpi ne, %rem3A_1016, %ne3A_1017 : i32
        %and3A_1019 = arith.andi %ne3A_1015, %ne3A_1018 : i1
        %sub3A_1020 = arith.constant 1 : i32
        %sub3A_1021 = arith.subi %div3A_1000, %sub3A_1020 : i32
        %select_n3A_1022 = arith.select %and3A_1019, %sub3A_1021, %div3A_1000 : i32
        %jit3A_1023 = arith.constant 2 : i32
        %eq3A_1024 = arith.constant 0 : i32
        %eq3A_1025 = arith.cmpi eq, %jit3A_1023, %eq3A_1024 : i32
        %jit3A_1026 = arith.constant 1 : i32
        %select_n3A_1027 = arith.select %eq3A_1025, %jit3A_1026, %jit3A_1023 : i32
        %rem3A_1028 = arith.remsi %add3A_998, %select_n3A_1027 : i32
        %ne3A_1029 = arith.constant 0 : i32
        %ne3A_1030 = arith.cmpi ne, %rem3A_1028, %ne3A_1029 : i32
        %lt3A_1031 = arith.constant 0 : i32
        %lt3A_1032 = arith.cmpi slt, %rem3A_1028, %lt3A_1031 : i32
        %lt3A_1033 = arith.constant 0 : i32
        %lt3A_1034 = arith.cmpi slt, %select_n3A_1027, %lt3A_1033 : i32
        %ne3A_1035 = arith.xori %lt3A_1032, %lt3A_1034 : i1
        %and3A_1036 = arith.andi %ne3A_1035, %ne3A_1030 : i1
        %add3A_1037 = arith.addi %rem3A_1028, %select_n3A_1027 : i32
        %select_n3A_1038 = arith.select %and3A_1036, %add3A_1037, %rem3A_1028 : i32
        %mul3A_1039 = arith.constant 64 : i32
        %mul3A_1040 = arith.muli %select_n3A_1038, %mul3A_1039 : i32
        %dma_start3A_1041 = arith.constant 0 : i32
        %dma_start3A_1042 = arith.constant 1 : i32
        %dma_start3A_1043 = arith.constant 0 : i32
        %dma_start3A_1044 = arith.constant 0 : i32
        %dma_start3A_1045 = tpu.memref_slice %arg6[%dma_start3A_1041, %dma_start3A_1042, %dma_start3A_1043, %dma_start3A_1044] : memref<2x5x64x128xf32, #tpu.memory_space<vmem>> -> memref<1x1x64x128xf32, #tpu.memory_space<vmem>>
        %dma_start3A_1046 = tpu.memref_squeeze %dma_start3A_1045 : memref<1x1x64x128xf32, #tpu.memory_space<vmem>> -> memref<64x128xf32, #tpu.memory_space<vmem>>
        %dma_start3A_1047 = tpu.memref_slice %arg5[%select_n3A_1022, %mul3A_1040] : memref<50x128xi32, #tpu.memory_space<vmem>> -> memref<1x64xi32, #tpu.memory_space<vmem>>
        %dma_start3A_1048 = tpu.memref_squeeze %dma_start3A_1047 : memref<1x64xi32, #tpu.memory_space<vmem>> -> memref<64xi32, #tpu.memory_space<vmem>>
        %dma_start3A_1049 = arith.constant 0 : i32
        %dma_start3A_1050 = arith.constant 0 : i32
        %dma_start3A_1051 = tpu.memref_slice %arg2[%dma_start3A_1049, %dma_start3A_1050] : memref<10000x128xf32, #tpu.memory_space<hbm>> -> memref<10000x128xf32, #tpu.memory_space<hbm>>
        tpu.enqueue_indirect_dma source(%dma_start3A_1051 : memref<10000x128xf32, #tpu.memory_space<hbm>>) target(%dma_start3A_1046 : memref<64x128xf32, #tpu.memory_space<vmem>>) offsets(%dma_start3A_1048 : memref<64xi32, #tpu.memory_space<vmem>>) semaphore(%arg7 : memref<!tpu.dma_semaphore, #tpu.memory_space<semaphore_mem>>)
        %mul3A_1052 = arith.constant 5 : i32
        %mul3A_1053 = arith.muli %add3A_937, %mul3A_1052 : i32
        %add3A_1054 = arith.constant 2 : i32
        %add3A_1055 = arith.addi %mul3A_1053, %add3A_1054 : i32
        %jit3A_1056 = arith.constant 2 : i32
        %div3A_1057 = arith.divsi %add3A_1055, %jit3A_1056 : i32
        %sign3A_1058 = arith.constant 0 : i32
        %sign3A_1059 = arith.cmpi sgt, %add3A_1055, %sign3A_1058 : i32
        %sign3A_1060 = arith.extui %sign3A_1059 : i1 to i32
        %sign3A_1061 = arith.constant 0 : i32
        %sign3A_1062 = arith.cmpi slt, %add3A_1055, %sign3A_1061 : i32
        %sign3A_1063 = arith.extui %sign3A_1062 : i1 to i32
        %sign3A_1064 = arith.subi %sign3A_1060, %sign3A_1063 : i32
        %sign3A_1065 = arith.constant 0 : i32
        %sign3A_1066 = arith.cmpi sgt, %jit3A_1056, %sign3A_1065 : i32
        %sign3A_1067 = arith.extui %sign3A_1066 : i1 to i32
        %sign3A_1068 = arith.constant 0 : i32
        %sign3A_1069 = arith.cmpi slt, %jit3A_1056, %sign3A_1068 : i32
        %sign3A_1070 = arith.extui %sign3A_1069 : i1 to i32
        %sign3A_1071 = arith.subi %sign3A_1067, %sign3A_1070 : i32
        %ne3A_1072 = arith.cmpi ne, %sign3A_1064, %sign3A_1071 : i32
        %rem3A_1073 = arith.remsi %add3A_1055, %jit3A_1056 : i32
        %ne3A_1074 = arith.constant 0 : i32
        %ne3A_1075 = arith.cmpi ne, %rem3A_1073, %ne3A_1074 : i32
        %and3A_1076 = arith.andi %ne3A_1072, %ne3A_1075 : i1
        %sub3A_1077 = arith.constant 1 : i32
        %sub3A_1078 = arith.subi %div3A_1057, %sub3A_1077 : i32
        %select_n3A_1079 = arith.select %and3A_1076, %sub3A_1078, %div3A_1057 : i32
        %jit3A_1080 = arith.constant 2 : i32
        %eq3A_1081 = arith.constant 0 : i32
        %eq3A_1082 = arith.cmpi eq, %jit3A_1080, %eq3A_1081 : i32
        %jit3A_1083 = arith.constant 1 : i32
        %select_n3A_1084 = arith.select %eq3A_1082, %jit3A_1083, %jit3A_1080 : i32
        %rem3A_1085 = arith.remsi %add3A_1055, %select_n3A_1084 : i32
        %ne3A_1086 = arith.constant 0 : i32
        %ne3A_1087 = arith.cmpi ne, %rem3A_1085, %ne3A_1086 : i32
        %lt3A_1088 = arith.constant 0 : i32
        %lt3A_1089 = arith.cmpi slt, %rem3A_1085, %lt3A_1088 : i32
        %lt3A_1090 = arith.constant 0 : i32
        %lt3A_1091 = arith.cmpi slt, %select_n3A_1084, %lt3A_1090 : i32
        %ne3A_1092 = arith.xori %lt3A_1089, %lt3A_1091 : i1
        %and3A_1093 = arith.andi %ne3A_1092, %ne3A_1087 : i1
        %add3A_1094 = arith.addi %rem3A_1085, %select_n3A_1084 : i32
        %select_n3A_1095 = arith.select %and3A_1093, %add3A_1094, %rem3A_1085 : i32
        %mul3A_1096 = arith.constant 64 : i32
        %mul3A_1097 = arith.muli %select_n3A_1095, %mul3A_1096 : i32
        %dma_start3A_1098 = arith.constant 0 : i32
        %dma_start3A_1099 = arith.constant 2 : i32
        %dma_start3A_1100 = arith.constant 0 : i32
        %dma_start3A_1101 = arith.constant 0 : i32
        %dma_start3A_1102 = tpu.memref_slice %arg6[%dma_start3A_1098, %dma_start3A_1099, %dma_start3A_1100, %dma_start3A_1101] : memref<2x5x64x128xf32, #tpu.memory_space<vmem>> -> memref<1x1x64x128xf32, #tpu.memory_space<vmem>>
        %dma_start3A_1103 = tpu.memref_squeeze %dma_start3A_1102 : memref<1x1x64x128xf32, #tpu.memory_space<vmem>> -> memref<64x128xf32, #tpu.memory_space<vmem>>
        %dma_start3A_1104 = tpu.memref_slice %arg5[%select_n3A_1079, %mul3A_1097] : memref<50x128xi32, #tpu.memory_space<vmem>> -> memref<1x64xi32, #tpu.memory_space<vmem>>
        %dma_start3A_1105 = tpu.memref_squeeze %dma_start3A_1104 : memref<1x64xi32, #tpu.memory_space<vmem>> -> memref<64xi32, #tpu.memory_space<vmem>>
        %dma_start3A_1106 = arith.constant 0 : i32
        %dma_start3A_1107 = arith.constant 0 : i32
        %dma_start3A_1108 = tpu.memref_slice %arg2[%dma_start3A_1106, %dma_start3A_1107] : memref<10000x128xf32, #tpu.memory_space<hbm>> -> memref<10000x128xf32, #tpu.memory_space<hbm>>
        tpu.enqueue_indirect_dma source(%dma_start3A_1108 : memref<10000x128xf32, #tpu.memory_space<hbm>>) target(%dma_start3A_1103 : memref<64x128xf32, #tpu.memory_space<vmem>>) offsets(%dma_start3A_1105 : memref<64xi32, #tpu.memory_space<vmem>>) semaphore(%arg7 : memref<!tpu.dma_semaphore, #tpu.memory_space<semaphore_mem>>)
        %mul3A_1109 = arith.constant 5 : i32
        %mul3A_1110 = arith.muli %add3A_937, %mul3A_1109 : i32
        %add3A_1111 = arith.constant 3 : i32
        %add3A_1112 = arith.addi %mul3A_1110, %add3A_1111 : i32
        %jit3A_1113 = arith.constant 2 : i32
        %div3A_1114 = arith.divsi %add3A_1112, %jit3A_1113 : i32
        %sign3A_1115 = arith.constant 0 : i32
        %sign3A_1116 = arith.cmpi sgt, %add3A_1112, %sign3A_1115 : i32
        %sign3A_1117 = arith.extui %sign3A_1116 : i1 to i32
        %sign3A_1118 = arith.constant 0 : i32
        %sign3A_1119 = arith.cmpi slt, %add3A_1112, %sign3A_1118 : i32
        %sign3A_1120 = arith.extui %sign3A_1119 : i1 to i32
        %sign3A_1121 = arith.subi %sign3A_1117, %sign3A_1120 : i32
        %sign3A_1122 = arith.constant 0 : i32
        %sign3A_1123 = arith.cmpi sgt, %jit3A_1113, %sign3A_1122 : i32
        %sign3A_1124 = arith.extui %sign3A_1123 : i1 to i32
        %sign3A_1125 = arith.constant 0 : i32
        %sign3A_1126 = arith.cmpi slt, %jit3A_1113, %sign3A_1125 : i32
        %sign3A_1127 = arith.extui %sign3A_1126 : i1 to i32
        %sign3A_1128 = arith.subi %sign3A_1124, %sign3A_1127 : i32
        %ne3A_1129 = arith.cmpi ne, %sign3A_1121, %sign3A_1128 : i32
        %rem3A_1130 = arith.remsi %add3A_1112, %jit3A_1113 : i32
        %ne3A_1131 = arith.constant 0 : i32
        %ne3A_1132 = arith.cmpi ne, %rem3A_1130, %ne3A_1131 : i32
        %and3A_1133 = arith.andi %ne3A_1129, %ne3A_1132 : i1
        %sub3A_1134 = arith.constant 1 : i32
        %sub3A_1135 = arith.subi %div3A_1114, %sub3A_1134 : i32
        %select_n3A_1136 = arith.select %and3A_1133, %sub3A_1135, %div3A_1114 : i32
        %jit3A_1137 = arith.constant 2 : i32
        %eq3A_1138 = arith.constant 0 : i32
        %eq3A_1139 = arith.cmpi eq, %jit3A_1137, %eq3A_1138 : i32
        %jit3A_1140 = arith.constant 1 : i32
        %select_n3A_1141 = arith.select %eq3A_1139, %jit3A_1140, %jit3A_1137 : i32
        %rem3A_1142 = arith.remsi %add3A_1112, %select_n3A_1141 : i32
        %ne3A_1143 = arith.constant 0 : i32
        %ne3A_1144 = arith.cmpi ne, %rem3A_1142, %ne3A_1143 : i32
        %lt3A_1145 = arith.constant 0 : i32
        %lt3A_1146 = arith.cmpi slt, %rem3A_1142, %lt3A_1145 : i32
        %lt3A_1147 = arith.constant 0 : i32
        %lt3A_1148 = arith.cmpi slt, %select_n3A_1141, %lt3A_1147 : i32
        %ne3A_1149 = arith.xori %lt3A_1146, %lt3A_1148 : i1
        %and3A_1150 = arith.andi %ne3A_1149, %ne3A_1144 : i1
        %add3A_1151 = arith.addi %rem3A_1142, %select_n3A_1141 : i32
        %select_n3A_1152 = arith.select %and3A_1150, %add3A_1151, %rem3A_1142 : i32
        %mul3A_1153 = arith.constant 64 : i32
        %mul3A_1154 = arith.muli %select_n3A_1152, %mul3A_1153 : i32
        %dma_start3A_1155 = arith.constant 0 : i32
        %dma_start3A_1156 = arith.constant 3 : i32
        %dma_start3A_1157 = arith.constant 0 : i32
        %dma_start3A_1158 = arith.constant 0 : i32
        %dma_start3A_1159 = tpu.memref_slice %arg6[%dma_start3A_1155, %dma_start3A_1156, %dma_start3A_1157, %dma_start3A_1158] : memref<2x5x64x128xf32, #tpu.memory_space<vmem>> -> memref<1x1x64x128xf32, #tpu.memory_space<vmem>>
        %dma_start3A_1160 = tpu.memref_squeeze %dma_start3A_1159 : memref<1x1x64x128xf32, #tpu.memory_space<vmem>> -> memref<64x128xf32, #tpu.memory_space<vmem>>
        %dma_start3A_1161 = tpu.memref_slice %arg5[%select_n3A_1136, %mul3A_1154] : memref<50x128xi32, #tpu.memory_space<vmem>> -> memref<1x64xi32, #tpu.memory_space<vmem>>
        %dma_start3A_1162 = tpu.memref_squeeze %dma_start3A_1161 : memref<1x64xi32, #tpu.memory_space<vmem>> -> memref<64xi32, #tpu.memory_space<vmem>>
        %dma_start3A_1163 = arith.constant 0 : i32
        %dma_start3A_1164 = arith.constant 0 : i32
        %dma_start3A_1165 = tpu.memref_slice %arg2[%dma_start3A_1163, %dma_start3A_1164] : memref<10000x128xf32, #tpu.memory_space<hbm>> -> memref<10000x128xf32, #tpu.memory_space<hbm>>
        tpu.enqueue_indirect_dma source(%dma_start3A_1165 : memref<10000x128xf32, #tpu.memory_space<hbm>>) target(%dma_start3A_1160 : memref<64x128xf32, #tpu.memory_space<vmem>>) offsets(%dma_start3A_1162 : memref<64xi32, #tpu.memory_space<vmem>>) semaphore(%arg7 : memref<!tpu.dma_semaphore, #tpu.memory_space<semaphore_mem>>)
        %mul3A_1166 = arith.constant 5 : i32
        %mul3A_1167 = arith.muli %add3A_937, %mul3A_1166 : i32
        %add3A_1168 = arith.constant 4 : i32
        %add3A_1169 = arith.addi %mul3A_1167, %add3A_1168 : i32
        %jit3A_1170 = arith.constant 2 : i32
        %div3A_1171 = arith.divsi %add3A_1169, %jit3A_1170 : i32
        %sign3A_1172 = arith.constant 0 : i32
        %sign3A_1173 = arith.cmpi sgt, %add3A_1169, %sign3A_1172 : i32
        %sign3A_1174 = arith.extui %sign3A_1173 : i1 to i32
        %sign3A_1175 = arith.constant 0 : i32
        %sign3A_1176 = arith.cmpi slt, %add3A_1169, %sign3A_1175 : i32
        %sign3A_1177 = arith.extui %sign3A_1176 : i1 to i32
        %sign3A_1178 = arith.subi %sign3A_1174, %sign3A_1177 : i32
        %sign3A_1179 = arith.constant 0 : i32
        %sign3A_1180 = arith.cmpi sgt, %jit3A_1170, %sign3A_1179 : i32
        %sign3A_1181 = arith.extui %sign3A_1180 : i1 to i32
        %sign3A_1182 = arith.constant 0 : i32
        %sign3A_1183 = arith.cmpi slt, %jit3A_1170, %sign3A_1182 : i32
        %sign3A_1184 = arith.extui %sign3A_1183 : i1 to i32
        %sign3A_1185 = arith.subi %sign3A_1181, %sign3A_1184 : i32
        %ne3A_1186 = arith.cmpi ne, %sign3A_1178, %sign3A_1185 : i32
        %rem3A_1187 = arith.remsi %add3A_1169, %jit3A_1170 : i32
        %ne3A_1188 = arith.constant 0 : i32
        %ne3A_1189 = arith.cmpi ne, %rem3A_1187, %ne3A_1188 : i32
        %and3A_1190 = arith.andi %ne3A_1186, %ne3A_1189 : i1
        %sub3A_1191 = arith.constant 1 : i32
        %sub3A_1192 = arith.subi %div3A_1171, %sub3A_1191 : i32
        %select_n3A_1193 = arith.select %and3A_1190, %sub3A_1192, %div3A_1171 : i32
        %jit3A_1194 = arith.constant 2 : i32
        %eq3A_1195 = arith.constant 0 : i32
        %eq3A_1196 = arith.cmpi eq, %jit3A_1194, %eq3A_1195 : i32
        %jit3A_1197 = arith.constant 1 : i32
        %select_n3A_1198 = arith.select %eq3A_1196, %jit3A_1197, %jit3A_1194 : i32
        %rem3A_1199 = arith.remsi %add3A_1169, %select_n3A_1198 : i32
        %ne3A_1200 = arith.constant 0 : i32
        %ne3A_1201 = arith.cmpi ne, %rem3A_1199, %ne3A_1200 : i32
        %lt3A_1202 = arith.constant 0 : i32
        %lt3A_1203 = arith.cmpi slt, %rem3A_1199, %lt3A_1202 : i32
        %lt3A_1204 = arith.constant 0 : i32
        %lt3A_1205 = arith.cmpi slt, %select_n3A_1198, %lt3A_1204 : i32
        %ne3A_1206 = arith.xori %lt3A_1203, %lt3A_1205 : i1
        %and3A_1207 = arith.andi %ne3A_1206, %ne3A_1201 : i1
        %add3A_1208 = arith.addi %rem3A_1199, %select_n3A_1198 : i32
        %select_n3A_1209 = arith.select %and3A_1207, %add3A_1208, %rem3A_1199 : i32
        %mul3A_1210 = arith.constant 64 : i32
        %mul3A_1211 = arith.muli %select_n3A_1209, %mul3A_1210 : i32
        %dma_start3A_1212 = arith.constant 0 : i32
        %dma_start3A_1213 = arith.constant 4 : i32
        %dma_start3A_1214 = arith.constant 0 : i32
        %dma_start3A_1215 = arith.constant 0 : i32
        %dma_start3A_1216 = tpu.memref_slice %arg6[%dma_start3A_1212, %dma_start3A_1213, %dma_start3A_1214, %dma_start3A_1215] : memref<2x5x64x128xf32, #tpu.memory_space<vmem>> -> memref<1x1x64x128xf32, #tpu.memory_space<vmem>>
        %dma_start3A_1217 = tpu.memref_squeeze %dma_start3A_1216 : memref<1x1x64x128xf32, #tpu.memory_space<vmem>> -> memref<64x128xf32, #tpu.memory_space<vmem>>
        %dma_start3A_1218 = tpu.memref_slice %arg5[%select_n3A_1193, %mul3A_1211] : memref<50x128xi32, #tpu.memory_space<vmem>> -> memref<1x64xi32, #tpu.memory_space<vmem>>
        %dma_start3A_1219 = tpu.memref_squeeze %dma_start3A_1218 : memref<1x64xi32, #tpu.memory_space<vmem>> -> memref<64xi32, #tpu.memory_space<vmem>>
        %dma_start3A_1220 = arith.constant 0 : i32
        %dma_start3A_1221 = arith.constant 0 : i32
        %dma_start3A_1222 = tpu.memref_slice %arg2[%dma_start3A_1220, %dma_start3A_1221] : memref<10000x128xf32, #tpu.memory_space<hbm>> -> memref<10000x128xf32, #tpu.memory_space<hbm>>
        tpu.enqueue_indirect_dma source(%dma_start3A_1222 : memref<10000x128xf32, #tpu.memory_space<hbm>>) target(%dma_start3A_1217 : memref<64x128xf32, #tpu.memory_space<vmem>>) offsets(%dma_start3A_1219 : memref<64xi32, #tpu.memory_space<vmem>>) semaphore(%arg7 : memref<!tpu.dma_semaphore, #tpu.memory_space<semaphore_mem>>)
      } else {
      }
    }
    %scan3A_71 = arith.constant 10 : i32
    %dma_wait3A = arith.constant 1 : i32
    %dma_wait3A_72 = arith.constant 0 : i32
    %dma_wait3A_73 = arith.constant 0 : i32
    %dma_wait3A_74 = arith.constant 0 : i32
    %dma_wait3A_75 = arith.constant 0 : i32
    %dma_wait3A_76 = tpu.memref_slice %arg6[%dma_wait3A, %dma_wait3A_72, %dma_wait3A_74, %dma_wait3A_75] : memref<2x5x64x128xf32, #tpu.memory_space<vmem>> -> memref<1x1x64x128xf32, #tpu.memory_space<vmem>>
    %dma_wait3A_77 = tpu.memref_squeeze %dma_wait3A_76 : memref<1x1x64x128xf32, #tpu.memory_space<vmem>> -> memref<64x128xf32, #tpu.memory_space<vmem>>
    %dma_wait3A_78 = arith.constant 0 : i32
    %dma_wait3A_79 = tpu.memref_slice %arg4[%dma_wait3A_73, %mul3A_2, %dma_wait3A_78] : memref<50x4096x128xf32, #tpu.memory_space<hbm>> -> memref<1x64x128xf32, #tpu.memory_space<hbm>>
    %dma_wait3A_80 = tpu.memref_squeeze %dma_wait3A_79 : memref<1x64x128xf32, #tpu.memory_space<hbm>> -> memref<64x128xf32, #tpu.memory_space<hbm>>
    %dma_wait3A_81 = arith.constant 0 : i32
    %dma_wait3A_82 = tpu.memref_slice %arg4[%dma_wait3A_73, %mul3A_2, %dma_wait3A_81] : memref<50x4096x128xf32, #tpu.memory_space<hbm>> -> memref<1x64x128xf32, #tpu.memory_space<hbm>>
    %dma_wait3A_83 = tpu.memref_squeeze %dma_wait3A_82 : memref<1x64x128xf32, #tpu.memory_space<hbm>> -> memref<64x128xf32, #tpu.memory_space<hbm>>
    %dma_wait3A_84 = arith.constant 0 : i32
    %dma_wait3A_85 = arith.constant 0 : i32
    %dma_wait3A_86 = tpu.memref_slice %arg6[%dma_wait3A, %dma_wait3A_72, %dma_wait3A_84, %dma_wait3A_85] : memref<2x5x64x128xf32, #tpu.memory_space<vmem>> -> memref<1x1x64x128xf32, #tpu.memory_space<vmem>>
    %dma_wait3A_87 = tpu.memref_squeeze %dma_wait3A_86 : memref<1x1x64x128xf32, #tpu.memory_space<vmem>> -> memref<64x128xf32, #tpu.memory_space<vmem>>
    tpu.wait_dma2 semaphore(%arg9 : memref<!tpu.dma_semaphore, #tpu.memory_space<semaphore_mem>>) src(%dma_wait3A_87 : memref<64x128xf32, #tpu.memory_space<vmem>>) dst(%dma_wait3A_83 : memref<64x128xf32, #tpu.memory_space<hbm>>)
    %dma_wait3A_88 = arith.constant 1 : i32
    %dma_wait3A_89 = arith.constant 1 : i32
    %dma_wait3A_90 = arith.constant 0 : i32
    %dma_wait3A_91 = arith.constant 0 : i32
    %dma_wait3A_92 = arith.constant 0 : i32
    %dma_wait3A_93 = tpu.memref_slice %arg6[%dma_wait3A_88, %dma_wait3A_89, %dma_wait3A_91, %dma_wait3A_92] : memref<2x5x64x128xf32, #tpu.memory_space<vmem>> -> memref<1x1x64x128xf32, #tpu.memory_space<vmem>>
    %dma_wait3A_94 = tpu.memref_squeeze %dma_wait3A_93 : memref<1x1x64x128xf32, #tpu.memory_space<vmem>> -> memref<64x128xf32, #tpu.memory_space<vmem>>
    %dma_wait3A_95 = arith.constant 0 : i32
    %dma_wait3A_96 = tpu.memref_slice %arg4[%dma_wait3A_90, %mul3A_2, %dma_wait3A_95] : memref<50x4096x128xf32, #tpu.memory_space<hbm>> -> memref<1x64x128xf32, #tpu.memory_space<hbm>>
    %dma_wait3A_97 = tpu.memref_squeeze %dma_wait3A_96 : memref<1x64x128xf32, #tpu.memory_space<hbm>> -> memref<64x128xf32, #tpu.memory_space<hbm>>
    %dma_wait3A_98 = arith.constant 0 : i32
    %dma_wait3A_99 = tpu.memref_slice %arg4[%dma_wait3A_90, %mul3A_2, %dma_wait3A_98] : memref<50x4096x128xf32, #tpu.memory_space<hbm>> -> memref<1x64x128xf32, #tpu.memory_space<hbm>>
    %dma_wait3A_100 = tpu.memref_squeeze %dma_wait3A_99 : memref<1x64x128xf32, #tpu.memory_space<hbm>> -> memref<64x128xf32, #tpu.memory_space<hbm>>
    %dma_wait3A_101 = arith.constant 0 : i32
    %dma_wait3A_102 = arith.constant 0 : i32
    %dma_wait3A_103 = tpu.memref_slice %arg6[%dma_wait3A_88, %dma_wait3A_89, %dma_wait3A_101, %dma_wait3A_102] : memref<2x5x64x128xf32, #tpu.memory_space<vmem>> -> memref<1x1x64x128xf32, #tpu.memory_space<vmem>>
    %dma_wait3A_104 = tpu.memref_squeeze %dma_wait3A_103 : memref<1x1x64x128xf32, #tpu.memory_space<vmem>> -> memref<64x128xf32, #tpu.memory_space<vmem>>
    tpu.wait_dma2 semaphore(%arg9 : memref<!tpu.dma_semaphore, #tpu.memory_space<semaphore_mem>>) src(%dma_wait3A_104 : memref<64x128xf32, #tpu.memory_space<vmem>>) dst(%dma_wait3A_100 : memref<64x128xf32, #tpu.memory_space<hbm>>)
    %dma_wait3A_105 = arith.constant 1 : i32
    %dma_wait3A_106 = arith.constant 2 : i32
    %dma_wait3A_107 = arith.constant 0 : i32
    %dma_wait3A_108 = arith.constant 0 : i32
    %dma_wait3A_109 = arith.constant 0 : i32
    %dma_wait3A_110 = tpu.memref_slice %arg6[%dma_wait3A_105, %dma_wait3A_106, %dma_wait3A_108, %dma_wait3A_109] : memref<2x5x64x128xf32, #tpu.memory_space<vmem>> -> memref<1x1x64x128xf32, #tpu.memory_space<vmem>>
    %dma_wait3A_111 = tpu.memref_squeeze %dma_wait3A_110 : memref<1x1x64x128xf32, #tpu.memory_space<vmem>> -> memref<64x128xf32, #tpu.memory_space<vmem>>
    %dma_wait3A_112 = arith.constant 0 : i32
    %dma_wait3A_113 = tpu.memref_slice %arg4[%dma_wait3A_107, %mul3A_2, %dma_wait3A_112] : memref<50x4096x128xf32, #tpu.memory_space<hbm>> -> memref<1x64x128xf32, #tpu.memory_space<hbm>>
    %dma_wait3A_114 = tpu.memref_squeeze %dma_wait3A_113 : memref<1x64x128xf32, #tpu.memory_space<hbm>> -> memref<64x128xf32, #tpu.memory_space<hbm>>
    %dma_wait3A_115 = arith.constant 0 : i32
    %dma_wait3A_116 = tpu.memref_slice %arg4[%dma_wait3A_107, %mul3A_2, %dma_wait3A_115] : memref<50x4096x128xf32, #tpu.memory_space<hbm>> -> memref<1x64x128xf32, #tpu.memory_space<hbm>>
    %dma_wait3A_117 = tpu.memref_squeeze %dma_wait3A_116 : memref<1x64x128xf32, #tpu.memory_space<hbm>> -> memref<64x128xf32, #tpu.memory_space<hbm>>
    %dma_wait3A_118 = arith.constant 0 : i32
    %dma_wait3A_119 = arith.constant 0 : i32
    %dma_wait3A_120 = tpu.memref_slice %arg6[%dma_wait3A_105, %dma_wait3A_106, %dma_wait3A_118, %dma_wait3A_119] : memref<2x5x64x128xf32, #tpu.memory_space<vmem>> -> memref<1x1x64x128xf32, #tpu.memory_space<vmem>>
    %dma_wait3A_121 = tpu.memref_squeeze %dma_wait3A_120 : memref<1x1x64x128xf32, #tpu.memory_space<vmem>> -> memref<64x128xf32, #tpu.memory_space<vmem>>
    tpu.wait_dma2 semaphore(%arg9 : memref<!tpu.dma_semaphore, #tpu.memory_space<semaphore_mem>>) src(%dma_wait3A_121 : memref<64x128xf32, #tpu.memory_space<vmem>>) dst(%dma_wait3A_117 : memref<64x128xf32, #tpu.memory_space<hbm>>)
    %dma_wait3A_122 = arith.constant 1 : i32
    %dma_wait3A_123 = arith.constant 3 : i32
    %dma_wait3A_124 = arith.constant 0 : i32
    %dma_wait3A_125 = arith.constant 0 : i32
    %dma_wait3A_126 = arith.constant 0 : i32
    %dma_wait3A_127 = tpu.memref_slice %arg6[%dma_wait3A_122, %dma_wait3A_123, %dma_wait3A_125, %dma_wait3A_126] : memref<2x5x64x128xf32, #tpu.memory_space<vmem>> -> memref<1x1x64x128xf32, #tpu.memory_space<vmem>>
    %dma_wait3A_128 = tpu.memref_squeeze %dma_wait3A_127 : memref<1x1x64x128xf32, #tpu.memory_space<vmem>> -> memref<64x128xf32, #tpu.memory_space<vmem>>
    %dma_wait3A_129 = arith.constant 0 : i32
    %dma_wait3A_130 = tpu.memref_slice %arg4[%dma_wait3A_124, %mul3A_2, %dma_wait3A_129] : memref<50x4096x128xf32, #tpu.memory_space<hbm>> -> memref<1x64x128xf32, #tpu.memory_space<hbm>>
    %dma_wait3A_131 = tpu.memref_squeeze %dma_wait3A_130 : memref<1x64x128xf32, #tpu.memory_space<hbm>> -> memref<64x128xf32, #tpu.memory_space<hbm>>
    %dma_wait3A_132 = arith.constant 0 : i32
    %dma_wait3A_133 = tpu.memref_slice %arg4[%dma_wait3A_124, %mul3A_2, %dma_wait3A_132] : memref<50x4096x128xf32, #tpu.memory_space<hbm>> -> memref<1x64x128xf32, #tpu.memory_space<hbm>>
    %dma_wait3A_134 = tpu.memref_squeeze %dma_wait3A_133 : memref<1x64x128xf32, #tpu.memory_space<hbm>> -> memref<64x128xf32, #tpu.memory_space<hbm>>
    %dma_wait3A_135 = arith.constant 0 : i32
    %dma_wait3A_136 = arith.constant 0 : i32
    %dma_wait3A_137 = tpu.memref_slice %arg6[%dma_wait3A_122, %dma_wait3A_123, %dma_wait3A_135, %dma_wait3A_136] : memref<2x5x64x128xf32, #tpu.memory_space<vmem>> -> memref<1x1x64x128xf32, #tpu.memory_space<vmem>>
    %dma_wait3A_138 = tpu.memref_squeeze %dma_wait3A_137 : memref<1x1x64x128xf32, #tpu.memory_space<vmem>> -> memref<64x128xf32, #tpu.memory_space<vmem>>
    tpu.wait_dma2 semaphore(%arg9 : memref<!tpu.dma_semaphore, #tpu.memory_space<semaphore_mem>>) src(%dma_wait3A_138 : memref<64x128xf32, #tpu.memory_space<vmem>>) dst(%dma_wait3A_134 : memref<64x128xf32, #tpu.memory_space<hbm>>)
    %dma_wait3A_139 = arith.constant 1 : i32
    %dma_wait3A_140 = arith.constant 4 : i32
    %dma_wait3A_141 = arith.constant 0 : i32
    %dma_wait3A_142 = arith.constant 0 : i32
    %dma_wait3A_143 = arith.constant 0 : i32
    %dma_wait3A_144 = tpu.memref_slice %arg6[%dma_wait3A_139, %dma_wait3A_140, %dma_wait3A_142, %dma_wait3A_143] : memref<2x5x64x128xf32, #tpu.memory_space<vmem>> -> memref<1x1x64x128xf32, #tpu.memory_space<vmem>>
    %dma_wait3A_145 = tpu.memref_squeeze %dma_wait3A_144 : memref<1x1x64x128xf32, #tpu.memory_space<vmem>> -> memref<64x128xf32, #tpu.memory_space<vmem>>
    %dma_wait3A_146 = arith.constant 0 : i32
    %dma_wait3A_147 = tpu.memref_slice %arg4[%dma_wait3A_141, %mul3A_2, %dma_wait3A_146] : memref<50x4096x128xf32, #tpu.memory_space<hbm>> -> memref<1x64x128xf32, #tpu.memory_space<hbm>>
    %dma_wait3A_148 = tpu.memref_squeeze %dma_wait3A_147 : memref<1x64x128xf32, #tpu.memory_space<hbm>> -> memref<64x128xf32, #tpu.memory_space<hbm>>
    %dma_wait3A_149 = arith.constant 0 : i32
    %dma_wait3A_150 = tpu.memref_slice %arg4[%dma_wait3A_141, %mul3A_2, %dma_wait3A_149] : memref<50x4096x128xf32, #tpu.memory_space<hbm>> -> memref<1x64x128xf32, #tpu.memory_space<hbm>>
    %dma_wait3A_151 = tpu.memref_squeeze %dma_wait3A_150 : memref<1x64x128xf32, #tpu.memory_space<hbm>> -> memref<64x128xf32, #tpu.memory_space<hbm>>
    %dma_wait3A_152 = arith.constant 0 : i32
    %dma_wait3A_153 = arith.constant 0 : i32
    %dma_wait3A_154 = tpu.memref_slice %arg6[%dma_wait3A_139, %dma_wait3A_140, %dma_wait3A_152, %dma_wait3A_153] : memref<2x5x64x128xf32, #tpu.memory_space<vmem>> -> memref<1x1x64x128xf32, #tpu.memory_space<vmem>>
    %dma_wait3A_155 = tpu.memref_squeeze %dma_wait3A_154 : memref<1x1x64x128xf32, #tpu.memory_space<vmem>> -> memref<64x128xf32, #tpu.memory_space<vmem>>
    tpu.wait_dma2 semaphore(%arg9 : memref<!tpu.dma_semaphore, #tpu.memory_space<semaphore_mem>>) src(%dma_wait3A_155 : memref<64x128xf32, #tpu.memory_space<vmem>>) dst(%dma_wait3A_151 : memref<64x128xf32, #tpu.memory_space<hbm>>)
    return
  }
}

</mosaic_0001>

<sc_bundles>
// kernel: _gather.3.cloned.1.call-start
scs
__scs_entry_jumppad:
0x0: {  	(pc) =	sbr.rel $0x88, $3  }
0x1: {  	(tag) =	ssettag $0x0;
	lr =	simm.s32 $0x1  }
0x2: {  	[smem:$0x3F9F] =	sst lr;
	_ =	strace $0xD0000000  }
0x3: {  	_ = 	snop  }
0x4: {  	_ = 	snop  }
0x5: {  	_ = 	snop  }
0x6: {  	_ = 	snop  }
0x7: {  	_ = 	snop  }
__scs_overlays_trampoline_lowered:
0x8: {  	[smem:$0x3FAE] =	sst s0  }
0x9: {  	[smem:$0x3FAF] =	sst s1  }
0xa: {  	[smem:$0x3FB0] =	sst s2  }
0xb: {  	[smem:$0x3FB1] =	sst s3  }
0xc: {  	[smem:$0x3FB2] =	sst s4  }
0xd: {  	[smem:$0x3FB3] =	sst s5  }
0xe: {  	[smem:$0x3FB4] =	sst s6  }
0xf: {  	[smem:$0x3FB5] =	sst s7  }
0x10: {  	[smem:$0x3FB6] =	sst s8  }
0x11: {  	[smem:$0x3FB7] =	sst s9;
	s0 =	simm.s32 @!p0 $0x0  }
0x12: {  	s1 =	sld [smem:$0x3F9D];
	s0 =	simm.s32 @p0 $0x1  }
0x13: {  	[smem:$0x3FB8] =	sst s0;
	s0 =	simm.s32 @!p1 $0x0  }
0x14: {  	s2 =	sld [smem:$0x3F9C];
	s0 =	simm.s32 @p1 $0x1  }
0x15: {  	[smem:$0x3FB9] =	sst s0;
	s0 =	simm.s32 @!p2 $0x0  }
0x16: {  	s3 =	sld [smem:$0x3FDB];
	s0 =	simm.s32 @p2 $0x1  }
0x17: {  	s4 =	simm.s32 $0x1BF5;
	[smem:$0x3FBB] =	sst s0  }
0x18: {  	s0 =	sld [smem:$0x3F9E];
	_ =	swait.ge [sflag:s4], $0x0  }
0x19: {  	s7 =	sld [smem:$0x3F9F]  }
0x1a: {  	s8 =	sadd.s32 $0xFFFFE003, lr  }
0x1b: {  	s9 =	sadd.s32 $0xFFFFFEF7, lr;
	s5 =	simm.s32 $0xFFFFFFFF;
	p2 =	slt.u32 s8, $0xFFFFF086  }
0x1c: {  	p1 =	slt.u32 s9, $0xF7A;
	s5 =	simm.s32 @!p2 $0x0  }
0x1d: {  	s5 =	simm.s32 @p1 $0x1;
	p0 =	seq.s32 s7, s2  }
0x1e: {  	s7 =	smul.u32 @!p0 $0xF7A, s2;
	p2 =	seq.s32 @!p0 s5, $0x0  }
0x1f: {  	s9 =	smul.u32 $0xF7A, s1;
	s8 =	simm.s32 @!p0 $0x1BF5;
	p2 =	por !p2, p0  }
0x20: {  	[sflag:s8] =	ssyncset.s32 @!p0 $0xFFFFF086;
	s6 =	sadd.s32 @!p0 s3, s7;
	s7 =	simm.s32 @!p0 $0x108  }
0x21: {  	s3 =	sadd.s32 s3, s9;
	s6 =	sadd.s32 @!p0 $0x88, s6;
	s7 =	simm.s32 @p2 $0x1082  }
0x22: {  	[simem:s7], [sflag:s8] =	dma.local @!p0 [hbm:s6], $0xF7A  }
0x23: {  	s9 =	sor.u32 $0xD0000000, s2;
	s6 =	simm.s32 $0x108;
	_ =	swait.ge @!p0 [sflag:s8], $0x0  }
0x24: {  	s3 =	sadd.s32 $0x88, s3;
	s6 =	simm.s32 @!p1 $0x1082;
	[sflag:s4] =	ssyncset.s32 $0xFFFFF086  }
0x25: {  	[simem:s6], [sflag:s4] =	dma.local [hbm:s3], $0xF7A  }
0x26: {  	[smem:$0x3F9F] =	sst s1;
	(tag) =	ssettag s2;
	_ =	strace s9  }
0x27: {  	s1 =	sld [smem:$0x3FAF]  }
0x28: {  	s2 =	sld [smem:$0x3FB0]  }
0x29: {  	s4 =	sld [smem:$0x3FB2]  }
0x2a: {  	p0 =	seq.s32 s5, $0x0;
	s5 =	sld [smem:$0x3FB3]  }
0x2b: {  	s6 =	sld [smem:$0x3FB4]  }
0x2c: {  	s7 =	sld [smem:$0x3FB5]  }
0x2d: {  	s3 =	simm.s32 $0x108;
	s8 =	sld [smem:$0x3FB6]  }
0x2e: {  	s3 =	simm.s32 @!p0 $0x1082;
	s9 =	sld [smem:$0x3FB7]  }
0x2f: {  	lr =	sadd.s32 s0, s3;
	s0 =	sld [smem:$0x3FAE]  }
0x30: {  	s3 =	sld [smem:$0x3FB1]  }
0x31: {  	[smem:$0x3FBA] =	sst s10  }
0x32: {  	s10 =	sld [smem:$0x3FB8];
	_ =	sdelay $0x3  }
0x33: {  	p0 =	seq.s32 s10, $0x1;
	s10 =	sld [smem:$0x3FBA];
	_ =	sdelay $0x3  }
0x34: {  	[smem:$0x3FBA] =	sst s10  }
0x35: {  	s10 =	sld [smem:$0x3FB9];
	_ =	sdelay $0x3  }
0x36: {  	p1 =	seq.s32 s10, $0x1;
	s10 =	sld [smem:$0x3FBA];
	_ =	sdelay $0x3  }
0x37: {  	[smem:$0x3FBA] =	sst s10  }
0x38: {  	s10 =	sld [smem:$0x3FBB]  }
0x39: {  	_ = 	snop;
	(pc) =	sbr.ind lr, $3  }
0x3a: {  	_ = 	snop  }
0x3b: {  	_ = 	snop  }
0x3c: {  	p2 =	seq.s32 s10, $0x1;
	s10 =	sld [smem:$0x3FBA]  }
0x3d: {  	_ =	shalt  }
0x3e: {  	_ =	shalt  }
0x3f: {  	_ =	shalt  }
0x40: {  	_ =	shalt  }
0x41: {  	_ =	shalt  }
0x42: {  	_ =	shalt  }
0x43: {  	_ =	shalt  }
0x44: {  	_ =	shalt  }
0x45: {  	_ =	shalt  }
0x46: {  	_ =	shalt  }
0x47: {  	_ =	shalt  }
0x48: {  	_ =	shalt  }
0x49: {  	_ =	shalt  }
0x4a: {  	_ =	shalt  }
0x4b: {  	_ =	shalt  }
0x4c: {  	_ =	shalt  }
0x4d: {  	_ =	shalt  }
0x4e: {  	_ =	shalt  }
0x4f: {  	_ =	shalt  }
0x50: {  	_ =	shalt  }
0x51: {  	_ =	shalt  }
0x52: {  	_ =	shalt  }
0x53: {  	_ =	shalt  }
0x54: {  	_ =	shalt  }
0x55: {  	_ =	shalt  }
0x56: {  	_ =	shalt  }
0x57: {  	_ =	shalt  }
0x58: {  	_ =	shalt  }
0x59: {  	_ =	shalt  }
0x5a: {  	_ =	shalt  }
0x5b: {  	_ =	shalt  }
0x5c: {  	_ =	shalt  }
0x5d: {  	_ =	shalt  }
0x5e: {  	_ =	shalt  }
0x5f: {  	_ =	shalt  }
0x60: {  	_ =	shalt  }
0x61: {  	_ =	shalt  }
0x62: {  	_ =	shalt  }
0x63: {  	_ =	shalt  }
0x64: {  	_ =	shalt  }
0x65: {  	_ =	shalt  }
0x66: {  	_ =	shalt  }
0x67: {  	_ =	shalt  }
0x68: {  	_ =	shalt  }
0x69: {  	_ =	shalt  }
0x6a: {  	_ =	shalt  }
0x6b: {  	_ =	shalt  }
0x6c: {  	_ =	shalt  }
0x6d: {  	_ =	shalt  }
0x6e: {  	_ =	shalt  }
0x6f: {  	_ =	shalt  }
0x70: {  	_ =	shalt  }
0x71: {  	_ =	shalt  }
0x72: {  	_ =	shalt  }
0x73: {  	_ =	shalt  }
0x74: {  	_ =	shalt  }
0x75: {  	_ =	shalt  }
0x76: {  	_ =	shalt  }
0x77: {  	_ =	shalt  }
0x78: {  	_ =	shalt  }
0x79: {  	_ =	shalt  }
0x7a: {  	_ =	shalt  }
0x7b: {  	_ =	shalt  }
0x7c: {  	_ =	shalt  }
0x7d: {  	_ =	shalt  }
0x7e: {  	_ =	shalt  }
0x7f: {  	_ =	shalt  }
0x80: {  	_ =	shalt  }
0x81: {  	_ =	shalt  }
0x82: {  	_ =	shalt  }
0x83: {  	_ =	shalt  }
0x84: {  	_ =	shalt  }
0x85: {  	_ =	shalt  }
0x86: {  	_ =	shalt  }
0x87: {  	_ =	shalt  }
.Lfunc_end0:
.L_simem_size_0:
called_computation_lowered:
.L_overlay_start_0:
0x88: {  	s2 =	sld [smem:$0x3FD9]  }
0x89: {  	s3 =	sld [smem:$0x3FFE];
	_ =	sdelay $0x1  }
0x8a: {  	s1 =	srdreg.scid  }
0x8b: {  	s0 =	sand.u32 $0x1, s1  }
0x8c: {  	s18 =	sshll.u32 s0, $0xA;
	s2 =	sadd.s32 s3, s2  }
0x8d: {  	s2 =	sadd.s32 s2, s18  }
0x8e: {  	[smem:$0x3FC6] =	sst s2  }
0x8f: {  	_ = 	snop  }
0x90: {  	s2 =	sld [smem:$0x3FC9]  }
0x91: {  	s19 =	sld [smem:$0x3FC8]  }
0x92: {  	s4 =	sld [smem:$0x3FD0];
	(tm) =	ssettm $0x1  }
0x93: {  	s5 =	sld [smem:$0x3FFB];
	_ =	sdelay $0x3  }
0x94: {  	_ =	strace s5  }
0x95: {  	s5 =	sld [smem:$0x3FFC];
	_ =	sdelay $0x3  }
0x96: {  	_ =	strace s5  }
0x97: {  	s5 =	sld [smem:$0x3FFD];
	_ =	sdelay $0x3  }
0x98: {  	_ =	strace s5  }
0x99: {  	_ =	strace $0x8FFFFFFF  }
0x9a: {  	s20 =	sld [smem:$0x3FDB];
	_ =	sdelay $0x1  }
0x9b: {  	s6 =	simm.s32 $_scs_section_size  }
0x9c: {  	s7 =	simm.s32 $_size__tile_overlayer_lowered;
	s8 =	simm.s32 $_tile_overlayer_lowered  }
0x9d: {  	s23 =	simm.s32 $0x1BFF;
	s22 =	sshll.u32 s8, $0x1;
	s5 =	sadd.s32 s6, s20  }
0x9e: {  	s9 =	simm.s32 $0x0;
	s21 =	sshll.u32 s7, $0x1;
	s7 =	sadd.s32 s22, s5  }
0x9f: {  	[timem:s9], [sflag:s23] =	dma.local [hbm:s7], s21  }
0xa0: {  	_ =	swait.ge [sflag:s23], s21  }
0xa1: {  	s6 =	ssub.s32 $0x0, s21;
	[sflag:s23] =	ssyncset.done $0x0  }
0xa2: {  	[sflag:s23] =	ssyncadd.s32 s6;
	_ =	sdelay $0x1  }
0xa3: {  	s24 =	simm.s32 $0x1B8B  }
0xa4: {  	_ =	swait.ge [sflag:s24], $0x1  }
0xa5: {  	[sflag:s24] =	ssyncset.done $0x0  }
0xa6: {  	s25 =	simm.s32 $0x1B8E;
	[sflag:s24] =	ssyncadd.s32 $0xFFFFFFFF  }
0xa7: {  	s26 =	simm.s32 $execute0_lowered;
	[smem:$0x3FD2] =	sst s25  }
0xa8: {  	s6 =	sshll.u32 s26, $0x1;
	_ =	strace $0x80000046;
	[dreg:$0x1] =	wrdreg $0xFFFFFFFF  }
0xa9: {  	s28 =	simm.s32 $_size_execute0_lowered;
	s5 =	sadd.s32 s5, s6;
	[dreg:$0x0] =	wrdreg $0x0  }
0xaa: {  	s6 =	sshll.u32 s28, $0x1;
	[dreg:$0x2] =	wrdreg s5  }
0xab: {  	[dreg:$0x3] =	wrdreg s6  }
0xac: {  	[dreg:$0x4] =	wrdreg $0xC0  }
0xad: {  	_ =	task [dreg:s9], $0x5FFFF  }
0xae: {  	[dreg:$0x1] =	wrdreg $0xFFFFFFFF  }
0xaf: {  	[dreg:$0x0] =	wrdreg $0x60  }
0xb0: {  	[dreg:$0x2] =	wrdreg s19  }
0xb1: {  	[dreg:$0x3] =	wrdreg s2  }
0xb2: {  	[dreg:$0x4] =	wrdreg s4  }
0xb3: {  	[dreg:$0x5] =	wrdreg $0x9  }
0xb4: {  	_ =	task.clear_ibuf [dreg:s9], $0x6FFFF;
	_ =	strace $0x90000046  }
0xb5: {  	s29 =	simm.s32 $0x9;
	_ =	strace $0x80000048  }
0xb6: {  	_ =	swait.ge [sflag:s29], $0x1  }
0xb7: {  	[sflag:s29] =	ssyncadd.s32 $0xFFFFFFFF  }
0xb8: {  	_ =	strace $0x90000048  }
0xb9: {  	_ =	sfence  }
0xba: {  	s30 =	sld [smem:$0x0];
	_ =	sdelay $0x2  }
0xbb: {  	s31 =	sshll.u32 s1, $0xD;
	s1 =	sshrl.u32 s1, $0x2  }
0xbc: {  	s3 =	sand.u32 $0x4000, s31;
	s1 =	sadd.s32 s1, s30  }
0xbd: {  	s0 =	sor.u32 s3, s0;
	s1 =	sshll.u32 s1, $0x11  }
0xbe: {  	s0 =	sor.u32 s1, s0  }
0xbf: {  	s0 =	sadd.s32 $0x8F2B, s0  }
0xc0: {  	[sflag:s0] =	ssyncadd.remote.s32 $0x1  }
0xc1: {  	_ =	sfence.sel $0xFFFF  }
0xc2: {  	[dreg:$0x0] =	wrdreg $0xFFFFFFFF;
	(pc) =	sbr.abs _section_cstart, $3  }
0xc3: {  	[dreg:$0x1] =	wrdreg $0xFFFFFFFF  }
0xc4: {  	_ =	task.clear_ibuf [dreg:s9], $0x2FFFF;
	_ =	strace $0x9FFFFFFF  }
0xc5: {  	(tm) =	ssettm $0x7FFFFFFF  }
tec
execute0_lowered:
.L_overlay_start_1:
0x0: {  	(tag) =	ssettag $0x1  }
0x1: {  	s1 =	rddreg [dreg:$0x0]  }
0x2: {  	s0 =	rddreg [dreg:$0x1];
	s4 =	simm.s32 $0x0;
	s2 =	srdreg.scid  }
0x3: {  	s7 =	stileid.u32;
	s29 =	simm.s32 $0x7C00;
	s31 =	simm.s32 $0x9C00  }
0x4: {  	s18 =	simm.s32 $0xFC00;
	s28 =	simm.s32 $0x3;
	s30 =	simm.s32 $0x0  }
0x5: {  	[smem:$0x7FF] =	sst s4;
	s2 =	sand.u32 $0x1, s2;
	s5 =	sshll.u32 s7, $0x8  }
0x6: {  	s7 =	sshll.u32 s7, $0xF;
	_ =	strace $0x80000047;
	s3 =	ssub.s32 $0x2, s2  }
0x7: {  	s6 =	sshll.u32 s2, $0x7;
	s2 =	sshll.u32 s2, $0xE;
	s8 =	sshrl.u32 s3, $0x1  }
0x8: {  	s5 =	sor.u32 s6, s5;
	s2 =	sor.u32 s2, s7;
	s3 =	ssub.s32 s3, s8  }
0x9: {  	s5 =	sadd.s32 s0, s5;
	s19 =	sor.u32 $0x100000, s2;
	s20 =	sor.u32 $0x82000, s2  }
0xa: {  	s21 =	sor.u32 $0x80000, s2;
	s22 =	sor.u32 $0x2000, s2;
	s12 =	sshrl.u32 s2, $0x3  }
0xb: {  	s23 =	sor.u32 $0x200000, s2;
	s24 =	sor.u32 $0x180000, s2;
	s25 =	sor.u32 $0x202000, s2  }
0xc: {  	s26 =	sor.u32 $0x182000, s2;
	s2 =	sor.u32 $0x102000, s2;
	s0 =	simm.s32 $0x1  }
0xd: {  	[dreg:$0x4] =	wrdreg s5;
	s5 =	sadd.s32 $0x6000, s5;
	s3 =	smax.u32 s3, $0x1  }
0xe: {  	s8 =	sshrl.u32 s19, $0x3;
	s9 =	sshrl.u32 s20, $0x3;
	s10 =	sshrl.u32 s21, $0x3  }
0xf: {  	s11 =	sshrl.u32 s22, $0x3;
	s13 =	sshrl.u32 s23, $0x3;
	s14 =	sshrl.u32 s24, $0x3  }
.Ltmp0:
0x10: {  	s15 =	sshrl.u32 s25, $0x3;
	s16 =	sshrl.u32 s26, $0x3;
	(pc) =	sbr.rel .LBB2_1-.Ltmp0, $4  }
0x11: {  	s17 =	sshrl.u32 s2, $0x3;
	s22 =	simm.s32 $0x40;
	s23 =	simm.s32 $0x1C00  }
0x12: {  	s24 =	simm.s32 $0x3C00;
	s26 =	simm.s32 $0x5C00;
	s2 =	simm.s32 $0xDC00  }
0x13: {  	s19 =	simm.s32 $0x11C00;
	s20 =	simm.s32 $0x13C00;
	[dreg:$0x5] =	wrdreg s5  }
0x14: {  	s25 =	simm.s32 $0x2;
	[dreg:$0x6] =	wrdreg s3;
	s3 =	simm.s32 $0xBC00  }
.LBB2_4:
0x15: {  	_ =	swait.ge [sflag:s28], $0x2000  }
0x16: {  	[sflag:s28] =	ssyncset.done $0x0  }
0x17: {  	[sflag:s28] =	ssyncadd.s32 $0xFFFFE000  }
0x18: {  	_ =	swait.ge [sflag:s28], $0x2000  }
0x19: {  	[sflag:s28] =	ssyncset.done $0x0  }
0x1a: {  	[sflag:s28] =	ssyncadd.s32 $0xFFFFE000  }
0x1b: {  	_ =	swait.ge [sflag:s28], $0x2000  }
0x1c: {  	[sflag:s28] =	ssyncset.done $0x0  }
0x1d: {  	[sflag:s28] =	ssyncadd.s32 $0xFFFFE000  }
0x1e: {  	_ =	swait.ge [sflag:s28], $0x2000  }
0x1f: {  	[sflag:s28] =	ssyncset.done $0x0  }
0x20: {  	[sflag:s28] =	ssyncadd.s32 $0xFFFFE000  }
0x21: {  	_ =	swait.ge [sflag:s28], $0x2000  }
0x22: {  	s30 =	sadd.s32 $0x1, s30;
	s5 =	rddreg [dreg:$0x6]  }
0x23: {  	p0 =	sne.s32 s30, s5  }
.Ltmp1:
0x24: {  	_ = 	snop;
	(pc) =	sbr.rel @!p0 .LBB2_5-.Ltmp1, $3  }
0x25: {  	_ =	sdelay $0x1  }
0x26: {  	[sflag:s28] =	ssyncset.done $0x0  }
0x27: {  	[sflag:s28] =	ssyncadd.s32 $0xFFFFE000  }
.LBB2_1:
0x28: {  	s5 =	rddreg [dreg:$0x4];
	s6 =	simm.s32 $0x400;
	s7 =	simm.s32 $0x8000  }
0x29: {  	[tilespmem:s4], [sflag:$0x4] =	stream.strided.gather [hbm4b:s5+s6], $0x1800, s7, s6, $0x38;
	[tilespmem:$0x15C00] =	vst v63  }
0x2a: {  	s21 =	simm.s32 $0x4;
	s6 =	rddreg [dreg:$0x5];
	s7 =	simm.s32 $0x1800  }
0x2b: {  	[tilespmem:s7], [sflag:$0x4] =	stream.linear.gather [hbm4b:s6+s4], $0x100, $0x38;
	[tilespmem:$0x15C00] =	vst v63  }
0x2c: {  	_ =	swait.ge [sflag:s21], $0x1900  }
0x2d: {  	[sflag:s21] =	ssyncset.done $0x0  }
0x2e: {  	[sflag:s21] =	ssyncadd.s32 $0xFFFFE700  }
0x2f: {  	[tilespmem:s23], [sflag:$0x1] =	stream.indirect.gather [hbm4b:s1+s22], $0x80, s4, s22, $0xb8;
	[tilespmem:$0x15C00] =	vst v63  }
0x30: {  	_ = 	snop  }
0x31: {  	[tilespmem:s24], [sflag:$0x1] =	stream.indirect.gather [hbm4b:s1+s22], $0x80, s22, s22, $0xb8;
	[tilespmem:$0x15C00] =	vst v63  }
0x32: {  	s6 =	simm.s32 $0x80  }
0x33: {  	[tilespmem:s26], [sflag:$0x1] =	stream.indirect.gather [hbm4b:s1+s22], $0x80, s6, s22, $0xb8;
	[tilespmem:$0x15C00] =	vst v63  }
0x34: {  	s7 =	simm.s32 $0xC0  }
0x35: {  	[tilespmem:s29], [sflag:$0x1] =	stream.indirect.gather [hbm4b:s1+s22], $0x80, s7, s22, $0xb8;
	[tilespmem:$0x15C00] =	vst v63  }
0x36: {  	s21 =	simm.s32 $0x100;
	s6 =	rddreg [dreg:$0x2];
	s7 =	simm.s32 $0x0  }
0x37: {  	[tilespmem:s31], [sflag:$0x1] =	stream.indirect.gather [hbm4b:s1+s22], $0x80, s21, s22, $0xb8;
	[tilespmem:$0x15C00] =	vst v63  }
.LBB2_2:
0x38: {  	_ =	swait.ge [sflag:s0], $0x2000  }
0x39: {  	[sflag:s0] =	ssyncset.done $0x0  }
0x3a: {  	[sflag:s0] =	ssyncadd.s32 $0xFFFFE000  }
0x3b: {  	_ =	swait.ge [sflag:s0], $0x2000  }
0x3c: {  	[sflag:s0] =	ssyncset.done $0x0  }
0x3d: {  	[sflag:s0] =	ssyncadd.s32 $0xFFFFE000  }
0x3e: {  	_ =	swait.ge [sflag:s0], $0x2000  }
0x3f: {  	[sflag:s0] =	ssyncset.done $0x0  }
0x40: {  	[sflag:s0] =	ssyncadd.s32 $0xFFFFE000  }
0x41: {  	_ =	swait.ge [sflag:s0], $0x2000  }
0x42: {  	[sflag:s0] =	ssyncset.done $0x0  }
0x43: {  	[sflag:s0] =	ssyncadd.s32 $0xFFFFE000  }
0x44: {  	_ =	swait.ge [sflag:s0], $0x2000  }
0x45: {  	[sflag:s0] =	ssyncset.done $0x0  }
0x46: {  	s5 =	sadd.s32 s6, s12;
	[sflag:s0] =	ssyncadd.s32 $0xFFFFE000  }
0x47: {  	[hbm4b:s5+s4] =	stream.linear.scatter [tilespmem:s23], [sflag:$0x2], $0x2000, $0x38;
	[tilespmem:$0x15C00] =	vst v63  }
0x48: {  	s21 =	sadd.s32 s6, s11  }
0x49: {  	[hbm4b:s21+s4] =	stream.linear.scatter [tilespmem:s24], [sflag:$0x2], $0x2000, $0x38;
	[tilespmem:$0x15C00] =	vst v63  }
0x4a: {  	s21 =	sadd.s32 s6, s10  }
0x4b: {  	[hbm4b:s21+s4] =	stream.linear.scatter [tilespmem:s26], [sflag:$0x2], $0x2000, $0x38;
	[tilespmem:$0x15C00] =	vst v63  }
0x4c: {  	s21 =	sadd.s32 s6, s9  }
0x4d: {  	[hbm4b:s21+s4] =	stream.linear.scatter [tilespmem:s29], [sflag:$0x2], $0x2000, $0x38;
	[tilespmem:$0x15C00] =	vst v63  }
0x4e: {  	p0 =	seq.s32 s7, $0x0;
	s21 =	sadd.s32 s6, s8  }
0x4f: {  	[hbm4b:s21+s4] =	stream.linear.scatter [tilespmem:s31], [sflag:$0x2], $0x2000, $0x38;
	[tilespmem:$0x15C00] =	vst v63  }
0x50: {  	s21 =	simm.s32 @!p0 $0x3  }
0x51: {  	_ =	swait.ge @!p0 [sflag:s21], $0x2000  }
0x52: {  	[sflag:s21] =	ssyncset.done @!p0 $0x0  }
0x53: {  	[sflag:s21] =	ssyncadd.s32 @!p0 $0xFFFFE000  }
0x54: {  	_ =	swait.ge @!p0 [sflag:s21], $0x2000  }
0x55: {  	[sflag:s21] =	ssyncset.done @!p0 $0x0  }
0x56: {  	[sflag:s21] =	ssyncadd.s32 @!p0 $0xFFFFE000  }
0x57: {  	_ =	swait.ge @!p0 [sflag:s21], $0x2000  }
0x58: {  	[sflag:s21] =	ssyncset.done @!p0 $0x0  }
0x59: {  	[sflag:s21] =	ssyncadd.s32 @!p0 $0xFFFFE000  }
0x5a: {  	_ =	swait.ge @!p0 [sflag:s21], $0x2000  }
0x5b: {  	[sflag:s21] =	ssyncset.done @!p0 $0x0  }
0x5c: {  	[sflag:s21] =	ssyncadd.s32 @!p0 $0xFFFFE000  }
0x5d: {  	_ =	swait.ge @!p0 [sflag:s21], $0x2000  }
0x5e: {  	s5 =	sshra.s32 s7, $0x2;
	[sflag:s21] =	ssyncset.done @!p0 $0x0  }
0x5f: {  	[sflag:s21] =	ssyncadd.s32 @!p0 $0xFFFFE000;
	s21 =	sadd.s32 $0x140, s5  }
0x60: {  	[tilespmem:s3], [sflag:$0x1] =	stream.indirect.gather [hbm4b:s1+s22], $0x80, s21, s22, $0xb8;
	[tilespmem:$0x15C00] =	vst v63  }
0x61: {  	s21 =	sadd.s32 $0x180, s5  }
0x62: {  	[tilespmem:s2], [sflag:$0x1] =	stream.indirect.gather [hbm4b:s1+s22], $0x80, s21, s22, $0xb8;
	[tilespmem:$0x15C00] =	vst v63  }
0x63: {  	s21 =	sadd.s32 $0x1C0, s5  }
0x64: {  	[tilespmem:s18], [sflag:$0x1] =	stream.indirect.gather [hbm4b:s1+s22], $0x80, s21, s22, $0xb8;
	[tilespmem:$0x15C00] =	vst v63  }
0x65: {  	s21 =	sadd.s32 $0x200, s5  }
0x66: {  	[tilespmem:s19], [sflag:$0x1] =	stream.indirect.gather [hbm4b:s1+s22], $0x80, s21, s22, $0xb8;
	[tilespmem:$0x15C00] =	vst v63  }
0x67: {  	s21 =	sadd.s32 $0x240, s5  }
0x68: {  	[tilespmem:s20], [sflag:$0x1] =	stream.indirect.gather [hbm4b:s1+s22], $0x80, s21, s22, $0xb8;
	[tilespmem:$0x15C00] =	vst v63  }
0x69: {  	_ =	swait.ge [sflag:s0], $0x2000  }
0x6a: {  	[sflag:s0] =	ssyncset.done $0x0  }
0x6b: {  	[sflag:s0] =	ssyncadd.s32 $0xFFFFE000  }
0x6c: {  	_ =	swait.ge [sflag:s0], $0x2000  }
0x6d: {  	[sflag:s0] =	ssyncset.done $0x0  }
0x6e: {  	[sflag:s0] =	ssyncadd.s32 $0xFFFFE000  }
0x6f: {  	_ =	swait.ge [sflag:s0], $0x2000  }
0x70: {  	[sflag:s0] =	ssyncset.done $0x0  }
0x71: {  	[sflag:s0] =	ssyncadd.s32 $0xFFFFE000  }
0x72: {  	_ =	swait.ge [sflag:s0], $0x2000  }
0x73: {  	[sflag:s0] =	ssyncset.done $0x0  }
0x74: {  	[sflag:s0] =	ssyncadd.s32 $0xFFFFE000  }
0x75: {  	_ =	swait.ge [sflag:s0], $0x2000  }
0x76: {  	[sflag:s0] =	ssyncset.done $0x0  }
0x77: {  	s21 =	sadd.s32 s6, s17;
	[sflag:s0] =	ssyncadd.s32 $0xFFFFE000  }
0x78: {  	[hbm4b:s21+s4] =	stream.linear.scatter [tilespmem:s3], [sflag:$0x3], $0x2000, $0x38;
	[tilespmem:$0x15C00] =	vst v63  }
0x79: {  	s21 =	sadd.s32 s6, s14  }
0x7a: {  	[hbm4b:s21+s4] =	stream.linear.scatter [tilespmem:s2], [sflag:$0x3], $0x2000, $0x38;
	[tilespmem:$0x15C00] =	vst v63  }
0x7b: {  	s21 =	sadd.s32 s6, s16  }
0x7c: {  	[hbm4b:s21+s4] =	stream.linear.scatter [tilespmem:s18], [sflag:$0x3], $0x2000, $0x38;
	[tilespmem:$0x15C00] =	vst v63  }
0x7d: {  	s21 =	sadd.s32 s6, s13  }
0x7e: {  	[hbm4b:s21+s4] =	stream.linear.scatter [tilespmem:s19], [sflag:$0x3], $0x2000, $0x38;
	[tilespmem:$0x15C00] =	vst v63  }
0x7f: {  	s21 =	sadd.s32 s6, s15  }
0x80: {  	[hbm4b:s21+s4] =	stream.linear.scatter [tilespmem:s20], [sflag:$0x3], $0x2000, $0x38;
	[tilespmem:$0x15C00] =	vst v63  }
0x81: {  	_ =	swait.ge [sflag:s25], $0x2000  }
0x82: {  	[sflag:s25] =	ssyncset.done $0x0  }
0x83: {  	[sflag:s25] =	ssyncadd.s32 $0xFFFFE000  }
0x84: {  	_ =	swait.ge [sflag:s25], $0x2000  }
0x85: {  	[sflag:s25] =	ssyncset.done $0x0  }
0x86: {  	[sflag:s25] =	ssyncadd.s32 $0xFFFFE000  }
0x87: {  	_ =	swait.ge [sflag:s25], $0x2000  }
0x88: {  	[sflag:s25] =	ssyncset.done $0x0  }
0x89: {  	[sflag:s25] =	ssyncadd.s32 $0xFFFFE000  }
0x8a: {  	p0 =	seq.s32 s7, $0x5A00;
	_ =	swait.ge [sflag:s25], $0x2000  }
.Ltmp2:
0x8b: {  	[sflag:s25] =	ssyncset.done $0x0;
	(pc) =	sbr.rel @p0 .LBB2_4-.Ltmp2, $4  }
0x8c: {  	[sflag:s25] =	ssyncadd.s32 $0xFFFFE000  }
0x8d: {  	_ =	swait.ge [sflag:s25], $0x2000  }
0x8e: {  	[sflag:s25] =	ssyncset.done $0x0  }
0x8f: {  	[sflag:s25] =	ssyncadd.s32 $0xFFFFE000  }
0x90: {  	s21 =	sadd.s32 $0x280, s5  }
0x91: {  	[tilespmem:s23], [sflag:$0x1] =	stream.indirect.gather [hbm4b:s1+s22], $0x80, s21, s22, $0xb8;
	[tilespmem:$0x15C00] =	vst v63  }
0x92: {  	s21 =	sadd.s32 $0x2C0, s5  }
0x93: {  	[tilespmem:s24], [sflag:$0x1] =	stream.indirect.gather [hbm4b:s1+s22], $0x80, s21, s22, $0xb8;
	[tilespmem:$0x15C00] =	vst v63  }
0x94: {  	s21 =	sadd.s32 $0x300, s5  }
0x95: {  	[tilespmem:s26], [sflag:$0x1] =	stream.indirect.gather [hbm4b:s1+s22], $0x80, s21, s22, $0xb8;
	[tilespmem:$0x15C00] =	vst v63  }
.Ltmp3:
0x96: {  	_ = 	snop;
	(pc) =	sbr.rel .LBB2_2-.Ltmp3, $4  }
0x97: {  	s21 =	sadd.s32 $0x340, s5  }
0x98: {  	[tilespmem:s29], [sflag:$0x1] =	stream.indirect.gather [hbm4b:s1+s22], $0x80, s21, s22, $0xb8;
	[tilespmem:$0x15C00] =	vst v63  }
0x99: {  	s7 =	sadd.s32 $0xA00, s7;
	s6 =	sadd.s32 $0x50000, s6;
	s21 =	sadd.s32 $0x380, s5  }
0x9a: {  	[tilespmem:s31], [sflag:$0x1] =	stream.indirect.gather [hbm4b:s1+s22], $0x80, s21, s22, $0xb8;
	[tilespmem:$0x15C00] =	vst v63  }
.LBB2_5:
0x9b: {  	_ =	sfence.sel $0x180000  }
0x9c: {  	[bflag:$0x0] =	sbarrier.arrive $0xFFFF  }
0x9d: {  	_ =	strace $0x90000047  }
0x9e: {  	s0 =	stileid.u32;
	[bflag:$0x2] =	sbarrier.arrive $0xFFFF  }
0x9f: {  	p0 =	sne.s32 s0, $0x0;
	s0 =	rddreg [dreg:$0x3]  }
0xa0: {  	s0 =	sadd.s32 @!p0 $0x100000, s0  }
0xa1: {  	[sflag:s0] =	ssyncadd.tile.s32 @!p0 $0x1;
	_ =	shalt  }
.Lfunc_end2:
_tile_overlayer_lowered:
.L_overlay_start_2:
0xa2: {  	(tag) =	ssettag $0x2  }
0xa3: {  	s0 =	rddreg [dreg:$0x0];
	s2 =	stileid.u32  }
0xa4: {  	s1 =	rddreg [dreg:$0x1];
	p0 =	sne.s32 s2, $0x0  }
0xa5: {  	s3 =	rddreg [dreg:$0x2];
	[bflag:$0x3] =	sbarrier.arrive $0xFFFF;
	s2 =	simm.s32 @!p0 $0x1C04  }
0xa6: {  	[timem:s3], [sflag:s2] =	dma.local @!p0 [hbm:s0], s1  }
0xa7: {  	s0 =	simm.s32 @!p0 $0x4  }
0xa8: {  	_ =	swait.ge @!p0 [sflag:s0], s1  }
0xa9: {  	s1 =	ssub.s32 @!p0 $0x0, s1;
	[sflag:s0] =	ssyncset.done @!p0 $0x0  }
0xaa: {  	[sflag:s0] =	ssyncadd.s32 @!p0 s1  }
0xab: {  	[bflag:$0x3] =	sbarrier.arrive $0xFFFF  }
0xac: {  	_ =	shalt  }

</sc_bundles>
